<compile_context>
chip_gen: v7x
topology: tpu7x:2x2x1
jax: 0.10.2.dev20260603
libtpu: 0.0.44.dev20260713+nightly
codegen_flags: <defaults>
</compile_context>

<pallas_src>
import functools

import jax
import jax.numpy as jnp
from jax import lax
from jax.experimental import pallas as pl
from jax.experimental.pallas import tpu as pltpu
from jax.experimental.pallas import tpu_sc as plsc

D_MODEL = 1024
N_IDX = 32768

_info = plsc.get_sparse_core_info()
_NC = _info.num_cores
_NS = _info.num_subcores
_NW = _NC * _NS
B_PER_W = N_IDX // _NW
CHUNK = 32
N_CHUNKS = B_PER_W // CHUNK
NBUF = 3

_mesh = plsc.VectorSubcoreMesh(core_axis_name="c", subcore_axis_name="s")


@functools.partial(
    pl.kernel,
    mesh=_mesh,
    out_type=jax.ShapeDtypeStruct((N_IDX, D_MODEL), jnp.float32),
    scratch_types=[
        pltpu.VMEM((B_PER_W,), jnp.int32),
        pltpu.VMEM((N_CHUNKS, CHUNK), jnp.int32),
        *[pltpu.VMEM((CHUNK, D_MODEL), jnp.float32) for _ in range(NBUF)],
        *[pltpu.SemaphoreType.DMA for _ in range(2 * NBUF)],
    ],
)
def _gather_kernel(idx_hbm, iota_hbm, pe_hbm, out_hbm, idx_v, iot_v, *scratch):
    bufs = scratch[:NBUF]
    gsems = scratch[NBUF : 2 * NBUF]
    wsems = scratch[2 * NBUF :]

    wid = lax.axis_index("s") * _NC + lax.axis_index("c")
    base = wid * B_PER_W
    pltpu.sync_copy(idx_hbm.at[pl.ds(base, B_PER_W)], idx_v)
    pltpu.sync_copy(iota_hbm.at[wid], iot_v)

    def start_gather(g, b):
        pltpu.async_copy(
            pe_hbm.at[idx_v.at[pl.ds(g * CHUNK, CHUNK)]], bufs[b], gsems[b]
        )

    def wait_gather(b):
        pltpu.make_async_copy(
            pe_hbm.at[idx_v.at[pl.ds(0, CHUNK)]], bufs[b], gsems[b]
        ).wait()

    def start_write(g, b):
        pltpu.async_copy(bufs[b], out_hbm.at[iot_v.at[g]], wsems[b])

    def wait_write(b):
        pltpu.make_async_copy(
            pe_hbm.at[idx_v.at[pl.ds(0, CHUNK)]], bufs[b], wsems[b]
        ).wait()

    start_gather(0, 0)

    @pl.loop(0, N_CHUNKS, step=NBUF)
    def _(g0):
        for b in range(NBUF):
            g = g0 + b
            nb = (b + 1) % NBUF

            @pl.when(jnp.logical_and(g + 1 < N_CHUNKS, g >= NBUF - 1))
            def _():
                wait_write(nb)

            @pl.when(g + 1 < N_CHUNKS)
            def _():
                start_gather(g + 1, nb)

            @pl.when(g < N_CHUNKS)
            def _():
                wait_gather(b)
                start_write(g, b)

    for g in range(N_CHUNKS - NBUF + 1, N_CHUNKS + 1):
        wait_write(g % NBUF)


def kernel(x, pe):
    iota = jnp.arange(N_IDX, dtype=jnp.int32).reshape(_NW, N_CHUNKS, CHUNK)
    return _gather_kernel(x.reshape(-1), iota, pe)

# --- scband reference (transcript-rebuilt; emitter-appended) ---
"""Pipeline reference for scband-positional-encoding-12025908429240 (READ-ONLY COPY).

The authoritative reference and input builder live on the scoring server;
editing this copy changes nothing except your own understanding.
"""

import jax, jax.numpy as jnp
import numpy as np
import math

D_MODEL = 1024
MAX_LEN = 8192
SEQ_LEN = 8192
BATCH = 4


def _build_pe(max_len, d_model):
    position = jnp.arange(max_len, dtype=jnp.float32)[:, None]
    div_term = jnp.exp(jnp.arange(0, d_model, 2, dtype=jnp.float32) * (-math.log(10000.0) / d_model))
    pe = jnp.zeros((max_len, d_model), dtype=jnp.float32)
    pe = pe.at[:, 0::2].set(jnp.sin(position * div_term))
    pe = pe.at[:, 1::2].set(jnp.cos(position * div_term))
    return pe


def setup_inputs(seed: int = 0) -> dict:
    key = jax.random.key(seed)
    x = jax.random.randint(key, (SEQ_LEN, BATCH), 0, MAX_LEN, dtype=jnp.int32)
    pe = _build_pe(MAX_LEN, D_MODEL)
    return {"x": x, "pe": pe}


def reference(x, pe):
    # PositionalEncoding.forward: self.pe[x.flatten()] -> gather rows of pe
    idx = x.reshape(-1)
    return jnp.take(pe, idx, axis=0)

if __name__ == "__main__":
    import jax
    _d = setup_inputs()
    print(jax.jit(kernel)(*tuple(_d.values())))

</pallas_src>

<mosaic_0001>
#map = affine_map<(d0, d1) -> (0)>
#map1 = affine_map<(d0, d1) -> (0, 0, 0)>
#map2 = affine_map<(d0, d1) -> (0, 0)>
module attributes {stable_mosaic.version = 14 : i64} {
  func.func @_gather_kernel(%arg0: i32, %arg1: i32, %arg2: memref<32768xi32, #tpu.memory_space<hbm>>, %arg3: memref<32x32x32xi32, #tpu.memory_space<hbm>>, %arg4: memref<8192x1024xf32, #tpu.memory_space<hbm>>, %arg5: memref<32768x1024xf32, #tpu.memory_space<hbm>>, %arg6: memref<1024xi32, #tpu.memory_space<vmem>>, %arg7: memref<32x32xi32, #tpu.memory_space<vmem>>, %arg8: memref<32x1024xf32, #tpu.memory_space<vmem>>, %arg9: memref<32x1024xf32, #tpu.memory_space<vmem>>, %arg10: memref<32x1024xf32, #tpu.memory_space<vmem>>, %arg11: memref<!tpu.dma_semaphore, #tpu.memory_space<semaphore_mem>>, %arg12: memref<!tpu.dma_semaphore, #tpu.memory_space<semaphore_mem>>, %arg13: memref<!tpu.dma_semaphore, #tpu.memory_space<semaphore_mem>>, %arg14: memref<!tpu.dma_semaphore, #tpu.memory_space<semaphore_mem>>, %arg15: memref<!tpu.dma_semaphore, #tpu.memory_space<semaphore_mem>>, %arg16: memref<!tpu.dma_semaphore, #tpu.memory_space<semaphore_mem>>) attributes {dimension_semantics = [#tpu.dimension_semantics<core_parallel>, #tpu.dimension_semantics<subcore_parallel>], iteration_bounds = array<i64: 2, 16>, scalar_prefetch = 0 : i64, scratch_operands = 11 : i64, tpu.core_type = #tpu.core_type<sc_vector_subcore>, window_params = [{transform_indices = #map}, {transform_indices = #map1}, {transform_indices = #map2}, {transform_indices = #map2}]} {
    %mul3A = arith.constant 2 : i32
    %mul3A_0 = arith.muli %arg1, %mul3A : i32
    %add3A = arith.addi %mul3A_0, %arg0 : i32
    %mul3A_1 = arith.constant 1024 : i32
    %mul3A_2 = arith.muli %add3A, %mul3A_1 : i32
    "tpu.region"() ({
      %run_scoped3A = tpu.sem_alloc : memref<!tpu.dma_semaphore, #tpu.memory_space<semaphore_mem>>
      %dma_start3A_25 = tpu.memref_slice %arg2[%mul3A_2] : memref<32768xi32, #tpu.memory_space<hbm>> -> memref<1024xi32, #tpu.memory_space<hbm>>
      %dma_start3A_26 = tpu.memref_slice %arg2[%mul3A_2] : memref<32768xi32, #tpu.memory_space<hbm>> -> memref<1024xi32, #tpu.memory_space<hbm>>
      tpu.enqueue_dma source(%dma_start3A_26 : memref<1024xi32, #tpu.memory_space<hbm>>) target(%arg6 : memref<1024xi32, #tpu.memory_space<vmem>>) target_semaphore(%run_scoped3A : memref<!tpu.dma_semaphore, #tpu.memory_space<semaphore_mem>>)
      %dma_wait3A_27 = tpu.memref_slice %arg2[%mul3A_2] : memref<32768xi32, #tpu.memory_space<hbm>> -> memref<1024xi32, #tpu.memory_space<hbm>>
      %dma_wait3A_28 = tpu.memref_slice %arg2[%mul3A_2] : memref<32768xi32, #tpu.memory_space<hbm>> -> memref<1024xi32, #tpu.memory_space<hbm>>
      tpu.wait_dma2 semaphore(%run_scoped3A : memref<!tpu.dma_semaphore, #tpu.memory_space<semaphore_mem>>) src(%dma_wait3A_28 : memref<1024xi32, #tpu.memory_space<hbm>>) dst(%arg6 : memref<1024xi32, #tpu.memory_space<vmem>>)
      tpu.yield
    }) : () -> ()
    "tpu.region"() ({
      %run_scoped3A = tpu.sem_alloc : memref<!tpu.dma_semaphore, #tpu.memory_space<semaphore_mem>>
      %dma_start3A_25 = arith.constant 0 : i32
      %dma_start3A_26 = arith.constant 0 : i32
      %dma_start3A_27 = tpu.memref_slice %arg3[%add3A, %dma_start3A_25, %dma_start3A_26] : memref<32x32x32xi32, #tpu.memory_space<hbm>> -> memref<1x32x32xi32, #tpu.memory_space<hbm>>
      %dma_start3A_28 = tpu.memref_squeeze %dma_start3A_27 : memref<1x32x32xi32, #tpu.memory_space<hbm>> -> memref<32x32xi32, #tpu.memory_space<hbm>>
      %dma_start3A_29 = arith.constant 0 : i32
      %dma_start3A_30 = arith.constant 0 : i32
      %dma_start3A_31 = tpu.memref_slice %arg3[%add3A, %dma_start3A_29, %dma_start3A_30] : memref<32x32x32xi32, #tpu.memory_space<hbm>> -> memref<1x32x32xi32, #tpu.memory_space<hbm>>
      %dma_start3A_32 = tpu.memref_squeeze %dma_start3A_31 : memref<1x32x32xi32, #tpu.memory_space<hbm>> -> memref<32x32xi32, #tpu.memory_space<hbm>>
      tpu.enqueue_dma source(%dma_start3A_32 : memref<32x32xi32, #tpu.memory_space<hbm>>) target(%arg7 : memref<32x32xi32, #tpu.memory_space<vmem>>) target_semaphore(%run_scoped3A : memref<!tpu.dma_semaphore, #tpu.memory_space<semaphore_mem>>)
      %dma_wait3A_33 = arith.constant 0 : i32
      %dma_wait3A_34 = arith.constant 0 : i32
      %dma_wait3A_35 = tpu.memref_slice %arg3[%add3A, %dma_wait3A_33, %dma_wait3A_34] : memref<32x32x32xi32, #tpu.memory_space<hbm>> -> memref<1x32x32xi32, #tpu.memory_space<hbm>>
      %dma_wait3A_36 = tpu.memref_squeeze %dma_wait3A_35 : memref<1x32x32xi32, #tpu.memory_space<hbm>> -> memref<32x32xi32, #tpu.memory_space<hbm>>
      %dma_wait3A_37 = arith.constant 0 : i32
      %dma_wait3A_38 = arith.constant 0 : i32
      %dma_wait3A_39 = tpu.memref_slice %arg3[%add3A, %dma_wait3A_37, %dma_wait3A_38] : memref<32x32x32xi32, #tpu.memory_space<hbm>> -> memref<1x32x32xi32, #tpu.memory_space<hbm>>
      %dma_wait3A_40 = tpu.memref_squeeze %dma_wait3A_39 : memref<1x32x32xi32, #tpu.memory_space<hbm>> -> memref<32x32xi32, #tpu.memory_space<hbm>>
      tpu.wait_dma2 semaphore(%run_scoped3A : memref<!tpu.dma_semaphore, #tpu.memory_space<semaphore_mem>>) src(%dma_wait3A_40 : memref<32x32xi32, #tpu.memory_space<hbm>>) dst(%arg7 : memref<32x32xi32, #tpu.memory_space<vmem>>)
      tpu.yield
    }) : () -> ()
    %dma_start3A = arith.constant 0 : i32
    %dma_start3A_3 = tpu.memref_slice %arg6[%dma_start3A] : memref<1024xi32, #tpu.memory_space<vmem>> -> memref<32xi32, #tpu.memory_space<vmem>>
    %dma_start3A_4 = arith.constant 0 : i32
    %dma_start3A_5 = arith.constant 0 : i32
    %dma_start3A_6 = tpu.memref_slice %arg4[%dma_start3A_4, %dma_start3A_5] : memref<8192x1024xf32, #tpu.memory_space<hbm>> -> memref<8192x1024xf32, #tpu.memory_space<hbm>>
    tpu.enqueue_indirect_dma source(%dma_start3A_6 : memref<8192x1024xf32, #tpu.memory_space<hbm>>) target(%arg8 : memref<32x1024xf32, #tpu.memory_space<vmem>>) offsets(%dma_start3A_3 : memref<32xi32, #tpu.memory_space<vmem>>) semaphore(%arg11 : memref<!tpu.dma_semaphore, #tpu.memory_space<semaphore_mem>>)
    %scan3A = arith.constant 0 : i32
    %scan3A_7 = arith.constant 11 : i32
    %scan3A_8 = arith.addi %scan3A, %scan3A_7 : i32
    %scan3A_9 = arith.constant 1 : i32
    scf.for %scan3A_25 = %scan3A to %scan3A_8 step %scan3A_9  : i32 {
      %mul3A_26 = arith.constant 3 : i32
      %mul3A_27 = arith.muli %scan3A_25, %mul3A_26 : i32
      %add3A_28 = arith.constant 0 : i32
      %add3A_29 = arith.addi %add3A_28, %mul3A_27 : i32
      %add3A_30 = arith.constant 0 : i32
      %add3A_31 = arith.addi %add3A_29, %add3A_30 : i32
      %add3A_32 = arith.constant 1 : i32
      %add3A_33 = arith.addi %add3A_31, %add3A_32 : i32
      %lt3A = arith.constant 32 : i32
      %lt3A_34 = arith.cmpi slt, %add3A_33, %lt3A : i32
      %ge3A = arith.constant 2 : i32
      %ge3A_35 = arith.cmpi sge, %add3A_31, %ge3A : i32
      %and3A = arith.andi %lt3A_34, %ge3A_35 : i1
      %convert_element_type3A = arith.extui %and3A : i1 to i32
      %cond3A = arith.constant 0 : i32
      %cond3A_36 = arith.cmpi ne, %convert_element_type3A, %cond3A : i32
      scf.if %cond3A_36 {
        %dma_wait3A_97 = arith.constant 0 : i32
        %dma_wait3A_98 = tpu.memref_slice %arg6[%dma_wait3A_97] : memref<1024xi32, #tpu.memory_space<vmem>> -> memref<32xi32, #tpu.memory_space<vmem>>
        %dma_wait3A_99 = arith.constant 0 : i32
        %dma_wait3A_100 = arith.constant 0 : i32
        %dma_wait3A_101 = tpu.memref_slice %arg4[%dma_wait3A_99, %dma_wait3A_100] : memref<8192x1024xf32, #tpu.memory_space<hbm>> -> memref<8192x1024xf32, #tpu.memory_space<hbm>>
        tpu.wait_indirect_dma semaphore(%arg15 : memref<!tpu.dma_semaphore, #tpu.memory_space<semaphore_mem>>) src(%dma_wait3A_101 : memref<8192x1024xf32, #tpu.memory_space<hbm>>) dst(%arg9 : memref<32x1024xf32, #tpu.memory_space<vmem>>)
      } else {
      }
      %add3A_37 = arith.constant 1 : i32
      %add3A_38 = arith.addi %add3A_31, %add3A_37 : i32
      %lt3A_39 = arith.constant 32 : i32
      %lt3A_40 = arith.cmpi slt, %add3A_38, %lt3A_39 : i32
      %convert_element_type3A_41 = arith.extui %lt3A_40 : i1 to i32
      %cond3A_42 = arith.constant 0 : i32
      %cond3A_43 = arith.cmpi ne, %convert_element_type3A_41, %cond3A_42 : i32
      scf.if %cond3A_43 {
        %add3A_97 = arith.constant 1 : i32
        %add3A_98 = arith.addi %add3A_31, %add3A_97 : i32
        %mul3A_99 = arith.constant 32 : i32
        %mul3A_100 = arith.muli %add3A_98, %mul3A_99 : i32
        %dma_start3A_101 = tpu.memref_slice %arg6[%mul3A_100] : memref<1024xi32, #tpu.memory_space<vmem>> -> memref<32xi32, #tpu.memory_space<vmem>>
        %dma_start3A_102 = arith.constant 0 : i32
        %dma_start3A_103 = arith.constant 0 : i32
        %dma_start3A_104 = tpu.memref_slice %arg4[%dma_start3A_102, %dma_start3A_103] : memref<8192x1024xf32, #tpu.memory_space<hbm>> -> memref<8192x1024xf32, #tpu.memory_space<hbm>>
        tpu.enqueue_indirect_dma source(%dma_start3A_104 : memref<8192x1024xf32, #tpu.memory_space<hbm>>) target(%arg9 : memref<32x1024xf32, #tpu.memory_space<vmem>>) offsets(%dma_start3A_101 : memref<32xi32, #tpu.memory_space<vmem>>) semaphore(%arg12 : memref<!tpu.dma_semaphore, #tpu.memory_space<semaphore_mem>>)
      } else {
      }
      %lt3A_44 = arith.constant 32 : i32
      %lt3A_45 = arith.cmpi slt, %add3A_31, %lt3A_44 : i32
      %convert_element_type3A_46 = arith.extui %lt3A_45 : i1 to i32
      %cond3A_47 = arith.constant 0 : i32
      %cond3A_48 = arith.cmpi ne, %convert_element_type3A_46, %cond3A_47 : i32
      scf.if %cond3A_48 {
        %dma_wait3A_97 = arith.constant 0 : i32
        %dma_wait3A_98 = tpu.memref_slice %arg6[%dma_wait3A_97] : memref<1024xi32, #tpu.memory_space<vmem>> -> memref<32xi32, #tpu.memory_space<vmem>>
        %dma_wait3A_99 = arith.constant 0 : i32
        %dma_wait3A_100 = arith.constant 0 : i32
        %dma_wait3A_101 = tpu.memref_slice %arg4[%dma_wait3A_99, %dma_wait3A_100] : memref<8192x1024xf32, #tpu.memory_space<hbm>> -> memref<8192x1024xf32, #tpu.memory_space<hbm>>
        tpu.wait_indirect_dma semaphore(%arg11 : memref<!tpu.dma_semaphore, #tpu.memory_space<semaphore_mem>>) src(%dma_wait3A_101 : memref<8192x1024xf32, #tpu.memory_space<hbm>>) dst(%arg8 : memref<32x1024xf32, #tpu.memory_space<vmem>>)
        %dma_start3A_102 = arith.constant 0 : i32
        %dma_start3A_103 = tpu.memref_slice %arg7[%add3A_31, %dma_start3A_102] : memref<32x32xi32, #tpu.memory_space<vmem>> -> memref<1x32xi32, #tpu.memory_space<vmem>>
        %dma_start3A_104 = tpu.memref_squeeze %dma_start3A_103 : memref<1x32xi32, #tpu.memory_space<vmem>> -> memref<32xi32, #tpu.memory_space<vmem>>
        %dma_start3A_105 = arith.constant 0 : i32
        %dma_start3A_106 = arith.constant 0 : i32
        %dma_start3A_107 = tpu.memref_slice %arg5[%dma_start3A_105, %dma_start3A_106] : memref<32768x1024xf32, #tpu.memory_space<hbm>> -> memref<32768x1024xf32, #tpu.memory_space<hbm>>
        tpu.enqueue_indirect_dma source(%arg8 : memref<32x1024xf32, #tpu.memory_space<vmem>>) target(%dma_start3A_107 : memref<32768x1024xf32, #tpu.memory_space<hbm>>) offsets(%dma_start3A_104 : memref<32xi32, #tpu.memory_space<vmem>>) semaphore(%arg14 : memref<!tpu.dma_semaphore, #tpu.memory_space<semaphore_mem>>)
      } else {
      }
      %add3A_49 = arith.constant 1 : i32
      %add3A_50 = arith.addi %add3A_29, %add3A_49 : i32
      %add3A_51 = arith.constant 1 : i32
      %add3A_52 = arith.addi %add3A_50, %add3A_51 : i32
      %lt3A_53 = arith.constant 32 : i32
      %lt3A_54 = arith.cmpi slt, %add3A_52, %lt3A_53 : i32
      %ge3A_55 = arith.constant 2 : i32
      %ge3A_56 = arith.cmpi sge, %add3A_50, %ge3A_55 : i32
      %and3A_57 = arith.andi %lt3A_54, %ge3A_56 : i1
      %convert_element_type3A_58 = arith.extui %and3A_57 : i1 to i32
      %cond3A_59 = arith.constant 0 : i32
      %cond3A_60 = arith.cmpi ne, %convert_element_type3A_58, %cond3A_59 : i32
      scf.if %cond3A_60 {
        %dma_wait3A_97 = arith.constant 0 : i32
        %dma_wait3A_98 = tpu.memref_slice %arg6[%dma_wait3A_97] : memref<1024xi32, #tpu.memory_space<vmem>> -> memref<32xi32, #tpu.memory_space<vmem>>
        %dma_wait3A_99 = arith.constant 0 : i32
        %dma_wait3A_100 = arith.constant 0 : i32
        %dma_wait3A_101 = tpu.memref_slice %arg4[%dma_wait3A_99, %dma_wait3A_100] : memref<8192x1024xf32, #tpu.memory_space<hbm>> -> memref<8192x1024xf32, #tpu.memory_space<hbm>>
        tpu.wait_indirect_dma semaphore(%arg16 : memref<!tpu.dma_semaphore, #tpu.memory_space<semaphore_mem>>) src(%dma_wait3A_101 : memref<8192x1024xf32, #tpu.memory_space<hbm>>) dst(%arg10 : memref<32x1024xf32, #tpu.memory_space<vmem>>)
      } else {
      }
      %add3A_61 = arith.constant 1 : i32
      %add3A_62 = arith.addi %add3A_50, %add3A_61 : i32
      %lt3A_63 = arith.constant 32 : i32
      %lt3A_64 = arith.cmpi slt, %add3A_62, %lt3A_63 : i32
      %convert_element_type3A_65 = arith.extui %lt3A_64 : i1 to i32
      %cond3A_66 = arith.constant 0 : i32
      %cond3A_67 = arith.cmpi ne, %convert_element_type3A_65, %cond3A_66 : i32
      scf.if %cond3A_67 {
        %add3A_97 = arith.constant 1 : i32
        %add3A_98 = arith.addi %add3A_50, %add3A_97 : i32
        %mul3A_99 = arith.constant 32 : i32
        %mul3A_100 = arith.muli %add3A_98, %mul3A_99 : i32
        %dma_start3A_101 = tpu.memref_slice %arg6[%mul3A_100] : memref<1024xi32, #tpu.memory_space<vmem>> -> memref<32xi32, #tpu.memory_space<vmem>>
        %dma_start3A_102 = arith.constant 0 : i32
        %dma_start3A_103 = arith.constant 0 : i32
        %dma_start3A_104 = tpu.memref_slice %arg4[%dma_start3A_102, %dma_start3A_103] : memref<8192x1024xf32, #tpu.memory_space<hbm>> -> memref<8192x1024xf32, #tpu.memory_space<hbm>>
        tpu.enqueue_indirect_dma source(%dma_start3A_104 : memref<8192x1024xf32, #tpu.memory_space<hbm>>) target(%arg10 : memref<32x1024xf32, #tpu.memory_space<vmem>>) offsets(%dma_start3A_101 : memref<32xi32, #tpu.memory_space<vmem>>) semaphore(%arg13 : memref<!tpu.dma_semaphore, #tpu.memory_space<semaphore_mem>>)
      } else {
      }
      %lt3A_68 = arith.constant 32 : i32
      %lt3A_69 = arith.cmpi slt, %add3A_50, %lt3A_68 : i32
      %convert_element_type3A_70 = arith.extui %lt3A_69 : i1 to i32
      %cond3A_71 = arith.constant 0 : i32
      %cond3A_72 = arith.cmpi ne, %convert_element_type3A_70, %cond3A_71 : i32
      scf.if %cond3A_72 {
        %dma_wait3A_97 = arith.constant 0 : i32
        %dma_wait3A_98 = tpu.memref_slice %arg6[%dma_wait3A_97] : memref<1024xi32, #tpu.memory_space<vmem>> -> memref<32xi32, #tpu.memory_space<vmem>>
        %dma_wait3A_99 = arith.constant 0 : i32
        %dma_wait3A_100 = arith.constant 0 : i32
        %dma_wait3A_101 = tpu.memref_slice %arg4[%dma_wait3A_99, %dma_wait3A_100] : memref<8192x1024xf32, #tpu.memory_space<hbm>> -> memref<8192x1024xf32, #tpu.memory_space<hbm>>
        tpu.wait_indirect_dma semaphore(%arg12 : memref<!tpu.dma_semaphore, #tpu.memory_space<semaphore_mem>>) src(%dma_wait3A_101 : memref<8192x1024xf32, #tpu.memory_space<hbm>>) dst(%arg9 : memref<32x1024xf32, #tpu.memory_space<vmem>>)
        %dma_start3A_102 = arith.constant 0 : i32
        %dma_start3A_103 = tpu.memref_slice %arg7[%add3A_50, %dma_start3A_102] : memref<32x32xi32, #tpu.memory_space<vmem>> -> memref<1x32xi32, #tpu.memory_space<vmem>>
        %dma_start3A_104 = tpu.memref_squeeze %dma_start3A_103 : memref<1x32xi32, #tpu.memory_space<vmem>> -> memref<32xi32, #tpu.memory_space<vmem>>
        %dma_start3A_105 = arith.constant 0 : i32
        %dma_start3A_106 = arith.constant 0 : i32
        %dma_start3A_107 = tpu.memref_slice %arg5[%dma_start3A_105, %dma_start3A_106] : memref<32768x1024xf32, #tpu.memory_space<hbm>> -> memref<32768x1024xf32, #tpu.memory_space<hbm>>
        tpu.enqueue_indirect_dma source(%arg9 : memref<32x1024xf32, #tpu.memory_space<vmem>>) target(%dma_start3A_107 : memref<32768x1024xf32, #tpu.memory_space<hbm>>) offsets(%dma_start3A_104 : memref<32xi32, #tpu.memory_space<vmem>>) semaphore(%arg15 : memref<!tpu.dma_semaphore, #tpu.memory_space<semaphore_mem>>)
      } else {
      }
      %add3A_73 = arith.constant 2 : i32
      %add3A_74 = arith.addi %add3A_29, %add3A_73 : i32
      %add3A_75 = arith.constant 1 : i32
      %add3A_76 = arith.addi %add3A_74, %add3A_75 : i32
      %lt3A_77 = arith.constant 32 : i32
      %lt3A_78 = arith.cmpi slt, %add3A_76, %lt3A_77 : i32
      %ge3A_79 = arith.constant 2 : i32
      %ge3A_80 = arith.cmpi sge, %add3A_74, %ge3A_79 : i32
      %and3A_81 = arith.andi %lt3A_78, %ge3A_80 : i1
      %convert_element_type3A_82 = arith.extui %and3A_81 : i1 to i32
      %cond3A_83 = arith.constant 0 : i32
      %cond3A_84 = arith.cmpi ne, %convert_element_type3A_82, %cond3A_83 : i32
      scf.if %cond3A_84 {
        %dma_wait3A_97 = arith.constant 0 : i32
        %dma_wait3A_98 = tpu.memref_slice %arg6[%dma_wait3A_97] : memref<1024xi32, #tpu.memory_space<vmem>> -> memref<32xi32, #tpu.memory_space<vmem>>
        %dma_wait3A_99 = arith.constant 0 : i32
        %dma_wait3A_100 = arith.constant 0 : i32
        %dma_wait3A_101 = tpu.memref_slice %arg4[%dma_wait3A_99, %dma_wait3A_100] : memref<8192x1024xf32, #tpu.memory_space<hbm>> -> memref<8192x1024xf32, #tpu.memory_space<hbm>>
        tpu.wait_indirect_dma semaphore(%arg14 : memref<!tpu.dma_semaphore, #tpu.memory_space<semaphore_mem>>) src(%dma_wait3A_101 : memref<8192x1024xf32, #tpu.memory_space<hbm>>) dst(%arg8 : memref<32x1024xf32, #tpu.memory_space<vmem>>)
      } else {
      }
      %add3A_85 = arith.constant 1 : i32
      %add3A_86 = arith.addi %add3A_74, %add3A_85 : i32
      %lt3A_87 = arith.constant 32 : i32
      %lt3A_88 = arith.cmpi slt, %add3A_86, %lt3A_87 : i32
      %convert_element_type3A_89 = arith.extui %lt3A_88 : i1 to i32
      %cond3A_90 = arith.constant 0 : i32
      %cond3A_91 = arith.cmpi ne, %convert_element_type3A_89, %cond3A_90 : i32
      scf.if %cond3A_91 {
        %add3A_97 = arith.constant 1 : i32
        %add3A_98 = arith.addi %add3A_74, %add3A_97 : i32
        %mul3A_99 = arith.constant 32 : i32
        %mul3A_100 = arith.muli %add3A_98, %mul3A_99 : i32
        %dma_start3A_101 = tpu.memref_slice %arg6[%mul3A_100] : memref<1024xi32, #tpu.memory_space<vmem>> -> memref<32xi32, #tpu.memory_space<vmem>>
        %dma_start3A_102 = arith.constant 0 : i32
        %dma_start3A_103 = arith.constant 0 : i32
        %dma_start3A_104 = tpu.memref_slice %arg4[%dma_start3A_102, %dma_start3A_103] : memref<8192x1024xf32, #tpu.memory_space<hbm>> -> memref<8192x1024xf32, #tpu.memory_space<hbm>>
        tpu.enqueue_indirect_dma source(%dma_start3A_104 : memref<8192x1024xf32, #tpu.memory_space<hbm>>) target(%arg8 : memref<32x1024xf32, #tpu.memory_space<vmem>>) offsets(%dma_start3A_101 : memref<32xi32, #tpu.memory_space<vmem>>) semaphore(%arg11 : memref<!tpu.dma_semaphore, #tpu.memory_space<semaphore_mem>>)
      } else {
      }
      %lt3A_92 = arith.constant 32 : i32
      %lt3A_93 = arith.cmpi slt, %add3A_74, %lt3A_92 : i32
      %convert_element_type3A_94 = arith.extui %lt3A_93 : i1 to i32
      %cond3A_95 = arith.constant 0 : i32
      %cond3A_96 = arith.cmpi ne, %convert_element_type3A_94, %cond3A_95 : i32
      scf.if %cond3A_96 {
        %dma_wait3A_97 = arith.constant 0 : i32
        %dma_wait3A_98 = tpu.memref_slice %arg6[%dma_wait3A_97] : memref<1024xi32, #tpu.memory_space<vmem>> -> memref<32xi32, #tpu.memory_space<vmem>>
        %dma_wait3A_99 = arith.constant 0 : i32
        %dma_wait3A_100 = arith.constant 0 : i32
        %dma_wait3A_101 = tpu.memref_slice %arg4[%dma_wait3A_99, %dma_wait3A_100] : memref<8192x1024xf32, #tpu.memory_space<hbm>> -> memref<8192x1024xf32, #tpu.memory_space<hbm>>
        tpu.wait_indirect_dma semaphore(%arg13 : memref<!tpu.dma_semaphore, #tpu.memory_space<semaphore_mem>>) src(%dma_wait3A_101 : memref<8192x1024xf32, #tpu.memory_space<hbm>>) dst(%arg10 : memref<32x1024xf32, #tpu.memory_space<vmem>>)
        %dma_start3A_102 = arith.constant 0 : i32
        %dma_start3A_103 = tpu.memref_slice %arg7[%add3A_74, %dma_start3A_102] : memref<32x32xi32, #tpu.memory_space<vmem>> -> memref<1x32xi32, #tpu.memory_space<vmem>>
        %dma_start3A_104 = tpu.memref_squeeze %dma_start3A_103 : memref<1x32xi32, #tpu.memory_space<vmem>> -> memref<32xi32, #tpu.memory_space<vmem>>
        %dma_start3A_105 = arith.constant 0 : i32
        %dma_start3A_106 = arith.constant 0 : i32
        %dma_start3A_107 = tpu.memref_slice %arg5[%dma_start3A_105, %dma_start3A_106] : memref<32768x1024xf32, #tpu.memory_space<hbm>> -> memref<32768x1024xf32, #tpu.memory_space<hbm>>
        tpu.enqueue_indirect_dma source(%arg10 : memref<32x1024xf32, #tpu.memory_space<vmem>>) target(%dma_start3A_107 : memref<32768x1024xf32, #tpu.memory_space<hbm>>) offsets(%dma_start3A_104 : memref<32xi32, #tpu.memory_space<vmem>>) semaphore(%arg16 : memref<!tpu.dma_semaphore, #tpu.memory_space<semaphore_mem>>)
      } else {
      }
    }
    %scan3A_10 = arith.constant 11 : i32
    %dma_wait3A = arith.constant 0 : i32
    %dma_wait3A_11 = tpu.memref_slice %arg6[%dma_wait3A] : memref<1024xi32, #tpu.memory_space<vmem>> -> memref<32xi32, #tpu.memory_space<vmem>>
    %dma_wait3A_12 = arith.constant 0 : i32
    %dma_wait3A_13 = arith.constant 0 : i32
    %dma_wait3A_14 = tpu.memref_slice %arg4[%dma_wait3A_12, %dma_wait3A_13] : memref<8192x1024xf32, #tpu.memory_space<hbm>> -> memref<8192x1024xf32, #tpu.memory_space<hbm>>
    tpu.wait_indirect_dma semaphore(%arg14 : memref<!tpu.dma_semaphore, #tpu.memory_space<semaphore_mem>>) src(%dma_wait3A_14 : memref<8192x1024xf32, #tpu.memory_space<hbm>>) dst(%arg8 : memref<32x1024xf32, #tpu.memory_space<vmem>>)
    %dma_wait3A_15 = arith.constant 0 : i32
    %dma_wait3A_16 = tpu.memref_slice %arg6[%dma_wait3A_15] : memref<1024xi32, #tpu.memory_space<vmem>> -> memref<32xi32, #tpu.memory_space<vmem>>
    %dma_wait3A_17 = arith.constant 0 : i32
    %dma_wait3A_18 = arith.constant 0 : i32
    %dma_wait3A_19 = tpu.memref_slice %arg4[%dma_wait3A_17, %dma_wait3A_18] : memref<8192x1024xf32, #tpu.memory_space<hbm>> -> memref<8192x1024xf32, #tpu.memory_space<hbm>>
    tpu.wait_indirect_dma semaphore(%arg15 : memref<!tpu.dma_semaphore, #tpu.memory_space<semaphore_mem>>) src(%dma_wait3A_19 : memref<8192x1024xf32, #tpu.memory_space<hbm>>) dst(%arg9 : memref<32x1024xf32, #tpu.memory_space<vmem>>)
    %dma_wait3A_20 = arith.constant 0 : i32
    %dma_wait3A_21 = tpu.memref_slice %arg6[%dma_wait3A_20] : memref<1024xi32, #tpu.memory_space<vmem>> -> memref<32xi32, #tpu.memory_space<vmem>>
    %dma_wait3A_22 = arith.constant 0 : i32
    %dma_wait3A_23 = arith.constant 0 : i32
    %dma_wait3A_24 = tpu.memref_slice %arg4[%dma_wait3A_22, %dma_wait3A_23] : memref<8192x1024xf32, #tpu.memory_space<hbm>> -> memref<8192x1024xf32, #tpu.memory_space<hbm>>
    tpu.wait_indirect_dma semaphore(%arg16 : memref<!tpu.dma_semaphore, #tpu.memory_space<semaphore_mem>>) src(%dma_wait3A_24 : memref<8192x1024xf32, #tpu.memory_space<hbm>>) dst(%arg10 : memref<32x1024xf32, #tpu.memory_space<vmem>>)
    return
  }
}

</mosaic_0001>

<sc_bundles>
// kernel: kernel.3.cloned.1.call-start
scs
__scs_entry_jumppad:
0x0: {  	(pc) =	sbr.rel $0x88, $3  }
0x1: {  	(tag) =	ssettag $0x0;
	lr =	simm.s32 $0x1  }
0x2: {  	[smem:$0x3F9F] =	sst lr;
	_ =	strace $0xD0000000  }
0x3: {  	_ = 	snop  }
0x4: {  	_ = 	snop  }
0x5: {  	_ = 	snop  }
0x6: {  	_ = 	snop  }
0x7: {  	_ = 	snop  }
__scs_overlays_trampoline_lowered:
0x8: {  	[smem:$0x3FAE] =	sst s0  }
0x9: {  	[smem:$0x3FAF] =	sst s1  }
0xa: {  	[smem:$0x3FB0] =	sst s2  }
0xb: {  	[smem:$0x3FB1] =	sst s3  }
0xc: {  	[smem:$0x3FB2] =	sst s4  }
0xd: {  	[smem:$0x3FB3] =	sst s5  }
0xe: {  	[smem:$0x3FB4] =	sst s6  }
0xf: {  	[smem:$0x3FB5] =	sst s7  }
0x10: {  	[smem:$0x3FB6] =	sst s8  }
0x11: {  	[smem:$0x3FB7] =	sst s9;
	s0 =	simm.s32 @!p0 $0x0  }
0x12: {  	s1 =	sld [smem:$0x3F9D];
	s0 =	simm.s32 @p0 $0x1  }
0x13: {  	[smem:$0x3FB8] =	sst s0;
	s0 =	simm.s32 @!p1 $0x0  }
0x14: {  	s2 =	sld [smem:$0x3F9C];
	s0 =	simm.s32 @p1 $0x1  }
0x15: {  	[smem:$0x3FB9] =	sst s0;
	s0 =	simm.s32 @!p2 $0x0  }
0x16: {  	s3 =	sld [smem:$0x3FDB];
	s0 =	simm.s32 @p2 $0x1  }
0x17: {  	s4 =	simm.s32 $0x1BF5;
	[smem:$0x3FBB] =	sst s0  }
0x18: {  	s0 =	sld [smem:$0x3F9E];
	_ =	swait.ge [sflag:s4], $0x0  }
0x19: {  	s7 =	sld [smem:$0x3F9F]  }
0x1a: {  	s8 =	sadd.s32 $0xFFFFE003, lr  }
0x1b: {  	s9 =	sadd.s32 $0xFFFFFEF7, lr;
	s5 =	simm.s32 $0xFFFFFFFF;
	p2 =	slt.u32 s8, $0xFFFFF086  }
0x1c: {  	p1 =	slt.u32 s9, $0xF7A;
	s5 =	simm.s32 @!p2 $0x0  }
0x1d: {  	s5 =	simm.s32 @p1 $0x1;
	p0 =	seq.s32 s7, s2  }
0x1e: {  	s7 =	smul.u32 @!p0 $0xF7A, s2;
	p2 =	seq.s32 @!p0 s5, $0x0  }
0x1f: {  	s9 =	smul.u32 $0xF7A, s1;
	s8 =	simm.s32 @!p0 $0x1BF5;
	p2 =	por !p2, p0  }
0x20: {  	[sflag:s8] =	ssyncset.s32 @!p0 $0xFFFFF086;
	s6 =	sadd.s32 @!p0 s3, s7;
	s7 =	simm.s32 @!p0 $0x108  }
0x21: {  	s3 =	sadd.s32 s3, s9;
	s6 =	sadd.s32 @!p0 $0x88, s6;
	s7 =	simm.s32 @p2 $0x1082  }
0x22: {  	[simem:s7], [sflag:s8] =	dma.local @!p0 [hbm:s6], $0xF7A  }
0x23: {  	s9 =	sor.u32 $0xD0000000, s2;
	s6 =	simm.s32 $0x108;
	_ =	swait.ge @!p0 [sflag:s8], $0x0  }
0x24: {  	s3 =	sadd.s32 $0x88, s3;
	s6 =	simm.s32 @!p1 $0x1082;
	[sflag:s4] =	ssyncset.s32 $0xFFFFF086  }
0x25: {  	[simem:s6], [sflag:s4] =	dma.local [hbm:s3], $0xF7A  }
0x26: {  	[smem:$0x3F9F] =	sst s1;
	(tag) =	ssettag s2;
	_ =	strace s9  }
0x27: {  	s1 =	sld [smem:$0x3FAF]  }
0x28: {  	s2 =	sld [smem:$0x3FB0]  }
0x29: {  	s4 =	sld [smem:$0x3FB2]  }
0x2a: {  	p0 =	seq.s32 s5, $0x0;
	s5 =	sld [smem:$0x3FB3]  }
0x2b: {  	s6 =	sld [smem:$0x3FB4]  }
0x2c: {  	s7 =	sld [smem:$0x3FB5]  }
0x2d: {  	s3 =	simm.s32 $0x108;
	s8 =	sld [smem:$0x3FB6]  }
0x2e: {  	s3 =	simm.s32 @!p0 $0x1082;
	s9 =	sld [smem:$0x3FB7]  }
0x2f: {  	lr =	sadd.s32 s0, s3;
	s0 =	sld [smem:$0x3FAE]  }
0x30: {  	s3 =	sld [smem:$0x3FB1]  }
0x31: {  	[smem:$0x3FBA] =	sst s10  }
0x32: {  	s10 =	sld [smem:$0x3FB8];
	_ =	sdelay $0x3  }
0x33: {  	p0 =	seq.s32 s10, $0x1;
	s10 =	sld [smem:$0x3FBA];
	_ =	sdelay $0x3  }
0x34: {  	[smem:$0x3FBA] =	sst s10  }
0x35: {  	s10 =	sld [smem:$0x3FB9];
	_ =	sdelay $0x3  }
0x36: {  	p1 =	seq.s32 s10, $0x1;
	s10 =	sld [smem:$0x3FBA];
	_ =	sdelay $0x3  }
0x37: {  	[smem:$0x3FBA] =	sst s10  }
0x38: {  	s10 =	sld [smem:$0x3FBB]  }
0x39: {  	_ = 	snop;
	(pc) =	sbr.ind lr, $3  }
0x3a: {  	_ = 	snop  }
0x3b: {  	_ = 	snop  }
0x3c: {  	p2 =	seq.s32 s10, $0x1;
	s10 =	sld [smem:$0x3FBA]  }
0x3d: {  	_ =	shalt  }
0x3e: {  	_ =	shalt  }
0x3f: {  	_ =	shalt  }
0x40: {  	_ =	shalt  }
0x41: {  	_ =	shalt  }
0x42: {  	_ =	shalt  }
0x43: {  	_ =	shalt  }
0x44: {  	_ =	shalt  }
0x45: {  	_ =	shalt  }
0x46: {  	_ =	shalt  }
0x47: {  	_ =	shalt  }
0x48: {  	_ =	shalt  }
0x49: {  	_ =	shalt  }
0x4a: {  	_ =	shalt  }
0x4b: {  	_ =	shalt  }
0x4c: {  	_ =	shalt  }
0x4d: {  	_ =	shalt  }
0x4e: {  	_ =	shalt  }
0x4f: {  	_ =	shalt  }
0x50: {  	_ =	shalt  }
0x51: {  	_ =	shalt  }
0x52: {  	_ =	shalt  }
0x53: {  	_ =	shalt  }
0x54: {  	_ =	shalt  }
0x55: {  	_ =	shalt  }
0x56: {  	_ =	shalt  }
0x57: {  	_ =	shalt  }
0x58: {  	_ =	shalt  }
0x59: {  	_ =	shalt  }
0x5a: {  	_ =	shalt  }
0x5b: {  	_ =	shalt  }
0x5c: {  	_ =	shalt  }
0x5d: {  	_ =	shalt  }
0x5e: {  	_ =	shalt  }
0x5f: {  	_ =	shalt  }
0x60: {  	_ =	shalt  }
0x61: {  	_ =	shalt  }
0x62: {  	_ =	shalt  }
0x63: {  	_ =	shalt  }
0x64: {  	_ =	shalt  }
0x65: {  	_ =	shalt  }
0x66: {  	_ =	shalt  }
0x67: {  	_ =	shalt  }
0x68: {  	_ =	shalt  }
0x69: {  	_ =	shalt  }
0x6a: {  	_ =	shalt  }
0x6b: {  	_ =	shalt  }
0x6c: {  	_ =	shalt  }
0x6d: {  	_ =	shalt  }
0x6e: {  	_ =	shalt  }
0x6f: {  	_ =	shalt  }
0x70: {  	_ =	shalt  }
0x71: {  	_ =	shalt  }
0x72: {  	_ =	shalt  }
0x73: {  	_ =	shalt  }
0x74: {  	_ =	shalt  }
0x75: {  	_ =	shalt  }
0x76: {  	_ =	shalt  }
0x77: {  	_ =	shalt  }
0x78: {  	_ =	shalt  }
0x79: {  	_ =	shalt  }
0x7a: {  	_ =	shalt  }
0x7b: {  	_ =	shalt  }
0x7c: {  	_ =	shalt  }
0x7d: {  	_ =	shalt  }
0x7e: {  	_ =	shalt  }
0x7f: {  	_ =	shalt  }
0x80: {  	_ =	shalt  }
0x81: {  	_ =	shalt  }
0x82: {  	_ =	shalt  }
0x83: {  	_ =	shalt  }
0x84: {  	_ =	shalt  }
0x85: {  	_ =	shalt  }
0x86: {  	_ =	shalt  }
0x87: {  	_ =	shalt  }
.Lfunc_end0:
.L_simem_size_0:
called_computation_lowered:
.L_overlay_start_0:
0x88: {  	s2 =	sld [smem:$0x3FD9]  }
0x89: {  	s3 =	sld [smem:$0x3FFE];
	_ =	sdelay $0x1  }
0x8a: {  	s1 =	srdreg.scid  }
0x8b: {  	s0 =	sand.u32 $0x1, s1  }
0x8c: {  	s17 =	sshll.u32 s0, $0xA;
	s2 =	sadd.s32 s3, s2  }
0x8d: {  	s2 =	sadd.s32 s2, s17  }
0x8e: {  	[smem:$0x3FC6] =	sst s2  }
0x8f: {  	_ = 	snop  }
0x90: {  	s2 =	sld [smem:$0x3FC8]  }
0x91: {  	s18 =	sld [smem:$0x3FD0];
	(tm) =	ssettm $0x1  }
0x92: {  	s4 =	sld [smem:$0x3FFB];
	_ =	sdelay $0x3  }
0x93: {  	_ =	strace s4  }
0x94: {  	s4 =	sld [smem:$0x3FFC];
	_ =	sdelay $0x3  }
0x95: {  	_ =	strace s4  }
0x96: {  	s4 =	sld [smem:$0x3FFD];
	_ =	sdelay $0x3  }
0x97: {  	_ =	strace s4  }
0x98: {  	_ =	strace $0x8FFFFFFF  }
0x99: {  	s19 =	sld [smem:$0x3FDB];
	_ =	sdelay $0x1  }
0x9a: {  	s5 =	simm.s32 $_scs_section_size  }
0x9b: {  	s6 =	simm.s32 $_size__tile_overlayer_lowered;
	s7 =	simm.s32 $_tile_overlayer_lowered  }
0x9c: {  	s22 =	simm.s32 $0x1BFF;
	s21 =	sshll.u32 s7, $0x1;
	s4 =	sadd.s32 s5, s19  }
0x9d: {  	s8 =	simm.s32 $0x0;
	s20 =	sshll.u32 s6, $0x1;
	s6 =	sadd.s32 s21, s4  }
0x9e: {  	[timem:s8], [sflag:s22] =	dma.local [hbm:s6], s20  }
0x9f: {  	_ =	swait.ge [sflag:s22], s20  }
0xa0: {  	s5 =	ssub.s32 $0x0, s20;
	[sflag:s22] =	ssyncset.done $0x0  }
0xa1: {  	[sflag:s22] =	ssyncadd.s32 s5;
	_ =	sdelay $0x1  }
0xa2: {  	s23 =	simm.s32 $0x1B8B  }
0xa3: {  	_ =	swait.ge [sflag:s23], $0x1  }
0xa4: {  	[sflag:s23] =	ssyncset.done $0x0  }
0xa5: {  	s25 =	simm.s32 $0x1B8E;
	s24 =	sld [smem:$0x3FFE];
	[sflag:s23] =	ssyncadd.s32 $0xFFFFFFFF  }
0xa6: {  	s26 =	simm.s32 $execute0_lowered;
	[smem:$0x3FD2] =	sst s25  }
0xa7: {  	s6 =	sshll.u32 s26, $0x1;
	_ =	strace $0x80000046;
	[dreg:$0x1] =	wrdreg $0xFFFFFFFF  }
0xa8: {  	s28 =	simm.s32 $_size_execute0_lowered;
	s4 =	sadd.s32 s4, s6;
	[dreg:$0x0] =	wrdreg $0x0  }
0xa9: {  	s6 =	sshll.u32 s28, $0x1;
	[dreg:$0x2] =	wrdreg s4  }
0xaa: {  	[dreg:$0x3] =	wrdreg s6  }
0xab: {  	[dreg:$0x4] =	wrdreg $0xC0  }
0xac: {  	_ =	task [dreg:s8], $0x5FFFF  }
0xad: {  	[dreg:$0x1] =	wrdreg $0xFFFFFFFF  }
0xae: {  	[dreg:$0x0] =	wrdreg $0x60  }
0xaf: {  	[dreg:$0x2] =	wrdreg s24  }
0xb0: {  	[dreg:$0x3] =	wrdreg s2  }
0xb1: {  	[dreg:$0x4] =	wrdreg s18  }
0xb2: {  	[dreg:$0x5] =	wrdreg $0x9  }
0xb3: {  	_ =	task.clear_ibuf [dreg:s8], $0x6FFFF;
	_ =	strace $0x90000046  }
0xb4: {  	s29 =	simm.s32 $0x9;
	_ =	strace $0x80000048  }
0xb5: {  	_ =	swait.ge [sflag:s29], $0x1  }
0xb6: {  	[sflag:s29] =	ssyncadd.s32 $0xFFFFFFFF  }
0xb7: {  	_ =	strace $0x90000048  }
0xb8: {  	_ =	sfence  }
0xb9: {  	s30 =	sld [smem:$0x0];
	_ =	sdelay $0x2  }
0xba: {  	s31 =	sshll.u32 s1, $0xD;
	s1 =	sshrl.u32 s1, $0x2  }
0xbb: {  	s3 =	sand.u32 $0x4000, s31;
	s1 =	sadd.s32 s1, s30  }
0xbc: {  	s0 =	sor.u32 s3, s0;
	s1 =	sshll.u32 s1, $0x11  }
0xbd: {  	s0 =	sor.u32 s1, s0  }
0xbe: {  	s0 =	sadd.s32 $0x8F2B, s0  }
0xbf: {  	[sflag:s0] =	ssyncadd.remote.s32 $0x1  }
0xc0: {  	_ =	sfence.sel $0xFFFF  }
0xc1: {  	[dreg:$0x0] =	wrdreg $0xFFFFFFFF;
	(pc) =	sbr.abs _section_cstart, $3  }
0xc2: {  	[dreg:$0x1] =	wrdreg $0xFFFFFFFF  }
0xc3: {  	_ =	task.clear_ibuf [dreg:s8], $0x2FFFF;
	_ =	strace $0x9FFFFFFF  }
0xc4: {  	(tm) =	ssettm $0x7FFFFFFF  }
0xc5: {  	_ =	shalt  }
tec
execute0_lowered:
.L_overlay_start_1:
0x0: {  	(tag) =	ssettag $0x1  }
0x1: {  	s0 =	rddreg [dreg:$0x0]  }
0x2: {  	s1 =	rddreg [dreg:$0x1]  }
0x3: {  	s3 =	rddreg [dreg:$0x2];
	s4 =	simm.s32 $0x0  }
0x4: {  	s2 =	srdreg.scid;
	s5 =	stileid.u32;
	s28 =	simm.s32 $0x2  }
0x5: {  	s29 =	simm.s32 $0x4;
	[smem:$0x7FF] =	sst s4;
	s2 =	sand.u32 $0x1, s2  }
0x6: {  	s5 =	sshll.u32 s5, $0x1;
	s8 =	sadd.s32 $0x200, s1;
	s9 =	sadd.s32 $0x300, s1  }
0x7: {  	s10 =	sadd.s32 $0x100, s3;
	s11 =	sadd.s32 $0x200, s3;
	s5 =	sor.u32 s2, s5  }
0x8: {  	_ =	strace $0x80000047;
	s2 =	ssub.s32 $0x2, s2;
	s6 =	sshll.u32 s5, $0x7  }
.Ltmp0:
0x9: {  	s5 =	sshll.u32 s5, $0x9;
	s6 =	sadd.s32 s6, s0;
	(pc) =	sbr.rel .LBB2_1-.Ltmp0, $4  }
0xa: {  	s7 =	sshrl.u32 s2, $0x1;
	s0 =	sadd.s32 s5, s0;
	s30 =	sadd.s32 $0x4400, s6  }
0xb: {  	v2 =	vlaneseq.u32;
	s2 =	ssub.s32 s2, s7;
	s0 =	sadd.s32 $0x400, s0;
	[dreg:$0x4] =	wrdreg s30  }
0xc: {  	vm0 =	vmmov $0xffff;
	s12 =	sadd.s32 $0x300, s3;
	v1 =	vshrl.u32 v2, $0x3;
	s31 =	smax.u32 s2, $0x1;
	[dreg:$0x5] =	wrdreg s0  }
0xd: {  	v0 =	vand.u32 $0x7, v2;
	v2 =	vor.u32 $0x8, v2;
	v1 =	vmul.u32 $0x8, v1;
	s7 =	sadd.s32 $0x100, s1;
	s5 =	simm.s32 $0x0;
	[dreg:$0x6] =	wrdreg s31  }
.LBB2_8:
0xe: {  	s0 =	simm.s32 $0x5  }
0xf: {  	_ =	swait.ge [sflag:s0], $0x8000  }
0x10: {  	[sflag:s0] =	ssyncset.done $0x0  }
0x11: {  	s2 =	simm.s32 $0x6;
	[sflag:s0] =	ssyncadd.s32 $0xFFFF8000  }
0x12: {  	_ =	swait.ge [sflag:s2], $0x8000  }
0x13: {  	s5 =	rddreg [dreg:$0x7]  }
0x14: {  	s31 =	rddreg [dreg:$0x6];
	s5 =	sadd.s32 $0x1, s5  }
0x15: {  	p0 =	sne.s32 s5, s31  }
.Ltmp1:
0x16: {  	_ = 	snop;
	(pc) =	sbr.rel @!p0 .LBB2_9-.Ltmp1, $3  }
0x17: {  	_ =	sdelay $0x1  }
0x18: {  	[sflag:s2] =	ssyncset.done $0x0  }
0x19: {  	[sflag:s2] =	ssyncadd.s32 $0xFFFF8000  }
.LBB2_1:
0x1a: {  	[dreg:$0x7] =	wrdreg s5  }
0x1b: {  	s0 =	rddreg [dreg:$0x4];
	s2 =	simm.s32 $0x7  }
0x1c: {  	[tilespmem:s4], [sflag:$0x7] =	stream.linear.gather [hbm4b:s0+s4], $0x400, $0x38;
	[tilespmem:$0x19400] =	vst v63  }
0x1d: {  	_ =	swait.ge [sflag:s2], $0x400  }
0x1e: {  	[sflag:s2] =	ssyncset.done $0x0  }
0x1f: {  	s15 =	simm.s32 $0x400;
	s0 =	rddreg [dreg:$0x5];
	[sflag:s2] =	ssyncadd.s32 $0xFFFFFC00  }
0x20: {  	[tilespmem:s15], [sflag:$0x7] =	stream.linear.gather [hbm4b:s0+s4], $0x1000, $0x38;
	[tilespmem:$0x19400] =	vst v63  }
0x21: {  	_ =	swait.ge [sflag:s2], $0x1000  }
0x22: {  	[sflag:s2] =	ssyncset.done $0x0  }
0x23: {  	[sflag:s2] =	ssyncadd.s32 $0xFFFFF000  }
0x24: {  	v3 =	vld [tilespmem:$0x0];
	_ =	sdelay $0x4  }
0x25: {  	v4 =	vshll.u32 v3, $0x3  }
0x26: {  	v3 =	vand.u32 $0x7, v3;
	v4 =	vand.u32 $0xFFFFFFC0, v4  }
0x27: {  	v3 =	vor.u32 v3, v4  }
0x28: {  	v4 =	vperm.xlane v3, v0;
	_ =	sdelay $0x1  }
0x29: {  	v4 =	vadd.s32 v1, v4;
	_ =	sdelay $0x3  }
0x2a: {  	s5 =	simm.s32 $0x1400  }
0x2b: {  	[tilespmem:s5], [sflag:$0x1] =	stream.indirect_vreg.gather [hbm4b:s1+s4], $0x80, v4, vm0, $0xb8;
	[tilespmem:$0x19400] =	vst v63  }
0x2c: {  	s6 =	simm.s32 $0x1C00;
	v3 =	vperm.xlane v3, v2  }
0x2d: {  	[tilespmem:s6], [sflag:$0x1] =	stream.indirect_vreg.gather [hbm4b:s7+s4], $0x80, v4, vm0, $0xb8;
	[tilespmem:$0x19400] =	vst v63  }
0x2e: {  	s13 =	simm.s32 $0x2400;
	v3 =	vadd.s32 v1, v3  }
0x2f: {  	[tilespmem:s13], [sflag:$0x1] =	stream.indirect_vreg.gather [hbm4b:s8+s4], $0x80, v4, vm0, $0xb8;
	[tilespmem:$0x19400] =	vst v63  }
0x30: {  	s14 =	simm.s32 $0x2C00  }
0x31: {  	[tilespmem:s14], [sflag:$0x1] =	stream.indirect_vreg.gather [hbm4b:s9+s4], $0x80, v4, vm0, $0xb8;
	[tilespmem:$0x19400] =	vst v63  }
0x32: {  	s16 =	simm.s32 $0x3400  }
0x33: {  	[tilespmem:s16], [sflag:$0x1] =	stream.indirect_vreg.gather [hbm4b:s1+s4], $0x80, v3, vm0, $0xb8;
	[tilespmem:$0x19400] =	vst v63  }
0x34: {  	s17 =	simm.s32 $0x3C00  }
0x35: {  	[tilespmem:s17], [sflag:$0x1] =	stream.indirect_vreg.gather [hbm4b:s7+s4], $0x80, v3, vm0, $0xb8;
	[tilespmem:$0x19400] =	vst v63  }
0x36: {  	s18 =	simm.s32 $0x4400  }
0x37: {  	[tilespmem:s18], [sflag:$0x1] =	stream.indirect_vreg.gather [hbm4b:s8+s4], $0x80, v3, vm0, $0xb8;
	[tilespmem:$0x19400] =	vst v63  }
0x38: {  	s19 =	simm.s32 $0x4C00  }
0x39: {  	[tilespmem:s19], [sflag:$0x1] =	stream.indirect_vreg.gather [hbm4b:s9+s4], $0x80, v3, vm0, $0xb8;
	[tilespmem:$0x19400] =	vst v63  }
0x3a: {  	v3 =	vld [tilespmem:$0x10];
	_ =	sdelay $0x4  }
0x3b: {  	v63 =	vshll.u32 v3, $0x3  }
0x3c: {  	v3 =	vand.u32 $0x7, v3;
	v4 =	vand.u32 $0xFFFFFFC0, v63  }
0x3d: {  	v3 =	vor.u32 v3, v4  }
0x3e: {  	v4 =	vperm.xlane v3, v0;
	_ =	sdelay $0x1  }
0x3f: {  	v4 =	vadd.s32 v1, v4;
	_ =	sdelay $0x3  }
0x40: {  	s20 =	simm.s32 $0x5400  }
0x41: {  	[tilespmem:s20], [sflag:$0x1] =	stream.indirect_vreg.gather [hbm4b:s1+s4], $0x80, v4, vm0, $0xb8;
	[tilespmem:$0x19400] =	vst v63  }
0x42: {  	s21 =	simm.s32 $0x5C00;
	v3 =	vperm.xlane v3, v2  }
0x43: {  	[tilespmem:s21], [sflag:$0x1] =	stream.indirect_vreg.gather [hbm4b:s7+s4], $0x80, v4, vm0, $0xb8;
	[tilespmem:$0x19400] =	vst v63  }
0x44: {  	s22 =	simm.s32 $0x6400;
	v3 =	vadd.s32 v1, v3  }
0x45: {  	[tilespmem:s22], [sflag:$0x1] =	stream.indirect_vreg.gather [hbm4b:s8+s4], $0x80, v4, vm0, $0xb8;
	[tilespmem:$0x19400] =	vst v63  }
0x46: {  	s23 =	simm.s32 $0x6C00  }
0x47: {  	[tilespmem:s23], [sflag:$0x1] =	stream.indirect_vreg.gather [hbm4b:s9+s4], $0x80, v4, vm0, $0xb8;
	[tilespmem:$0x19400] =	vst v63  }
0x48: {  	s24 =	simm.s32 $0x7400  }
0x49: {  	[tilespmem:s24], [sflag:$0x1] =	stream.indirect_vreg.gather [hbm4b:s1+s4], $0x80, v3, vm0, $0xb8;
	[tilespmem:$0x19400] =	vst v63  }
0x4a: {  	s25 =	simm.s32 $0x7C00  }
0x4b: {  	[tilespmem:s25], [sflag:$0x1] =	stream.indirect_vreg.gather [hbm4b:s7+s4], $0x80, v3, vm0, $0xb8;
	[tilespmem:$0x19400] =	vst v63  }
0x4c: {  	s30 =	simm.s32 $0x8C00;
	s26 =	simm.s32 $0x8400  }
0x4d: {  	[tilespmem:s26], [sflag:$0x1] =	stream.indirect_vreg.gather [hbm4b:s8+s4], $0x80, v3, vm0, $0xb8;
	[tilespmem:$0x19400] =	vst v63  }
0x4e: {  	s31 =	simm.s32 $0x40;
	s0 =	simm.s32 $0x490;
	s2 =	simm.s32 $0x0  }
0x4f: {  	[tilespmem:s30], [sflag:$0x1] =	stream.indirect_vreg.gather [hbm4b:s9+s4], $0x80, v3, vm0, $0xb8;
	[tilespmem:$0x19400] =	vst v63  }
.LBB2_2:
0x50: {  	p0 =	seq.s32 s2, $0x0  }
0x51: {  	s15 =	simm.s32 @!p0 $0x5  }
0x52: {  	_ =	swait.ge @!p0 [sflag:s15], $0x8000  }
0x53: {  	[sflag:s15] =	ssyncset.done @!p0 $0x0  }
0x54: {  	[sflag:s15] =	ssyncadd.s32 @!p0 $0xFFFF8000  }
0x55: {  	v3 =	vld [tilespmem:s31+$0xFFFFFFE0];
	_ =	sdelay $0x4  }
0x56: {  	v4 =	vshll.u32 v3, $0x3  }
0x57: {  	v3 =	vand.u32 $0x7, v3;
	v4 =	vand.u32 $0xFFFFFFC0, v4  }
0x58: {  	v3 =	vor.u32 v3, v4  }
0x59: {  	v4 =	vperm.xlane v3, v0;
	_ =	sdelay $0x1  }
0x5a: {  	v4 =	vadd.s32 v1, v4;
	_ =	sdelay $0x3  }
0x5b: {  	s15 =	simm.s32 $0x9400  }
0x5c: {  	[tilespmem:s15], [sflag:$0x2] =	stream.indirect_vreg.gather [hbm4b:s1+s4], $0x80, v4, vm0, $0xb8;
	[tilespmem:$0x19400] =	vst v63  }
0x5d: {  	v3 =	vperm.xlane v3, v2;
	s15 =	simm.s32 $0x9C00  }
0x5e: {  	[tilespmem:s15], [sflag:$0x2] =	stream.indirect_vreg.gather [hbm4b:s7+s4], $0x80, v4, vm0, $0xb8;
	[tilespmem:$0x19400] =	vst v63  }
0x5f: {  	v3 =	vadd.s32 v1, v3;
	s15 =	simm.s32 $0xA400  }
0x60: {  	[tilespmem:s15], [sflag:$0x2] =	stream.indirect_vreg.gather [hbm4b:s8+s4], $0x80, v4, vm0, $0xb8;
	[tilespmem:$0x19400] =	vst v63  }
0x61: {  	s15 =	simm.s32 $0xAC00  }
0x62: {  	[tilespmem:s15], [sflag:$0x2] =	stream.indirect_vreg.gather [hbm4b:s9+s4], $0x80, v4, vm0, $0xb8;
	[tilespmem:$0x19400] =	vst v63  }
0x63: {  	s15 =	simm.s32 $0xB400  }
0x64: {  	[tilespmem:s15], [sflag:$0x2] =	stream.indirect_vreg.gather [hbm4b:s1+s4], $0x80, v3, vm0, $0xb8;
	[tilespmem:$0x19400] =	vst v63  }
0x65: {  	s15 =	simm.s32 $0xBC00  }
0x66: {  	[tilespmem:s15], [sflag:$0x2] =	stream.indirect_vreg.gather [hbm4b:s7+s4], $0x80, v3, vm0, $0xb8;
	[tilespmem:$0x19400] =	vst v63  }
0x67: {  	s15 =	simm.s32 $0xC400  }
0x68: {  	[tilespmem:s15], [sflag:$0x2] =	stream.indirect_vreg.gather [hbm4b:s8+s4], $0x80, v3, vm0, $0xb8;
	[tilespmem:$0x19400] =	vst v63  }
0x69: {  	s15 =	simm.s32 $0xCC00  }
0x6a: {  	[tilespmem:s15], [sflag:$0x2] =	stream.indirect_vreg.gather [hbm4b:s9+s4], $0x80, v3, vm0, $0xb8;
	[tilespmem:$0x19400] =	vst v63  }
0x6b: {  	v3 =	vld [tilespmem:s31+$0xFFFFFFF0];
	_ =	sdelay $0x4  }
0x6c: {  	v61 =	vshll.u32 v3, $0x3  }
0x6d: {  	v3 =	vand.u32 $0x7, v3;
	v4 =	vand.u32 $0xFFFFFFC0, v61  }
0x6e: {  	v3 =	vor.u32 v3, v4  }
0x6f: {  	v4 =	vperm.xlane v3, v0;
	_ =	sdelay $0x1  }
0x70: {  	v4 =	vadd.s32 v1, v4;
	_ =	sdelay $0x3  }
0x71: {  	s15 =	simm.s32 $0xD400  }
0x72: {  	[tilespmem:s15], [sflag:$0x2] =	stream.indirect_vreg.gather [hbm4b:s1+s4], $0x80, v4, vm0, $0xb8;
	[tilespmem:$0x19400] =	vst v63  }
0x73: {  	v3 =	vperm.xlane v3, v2;
	s15 =	simm.s32 $0xDC00  }
0x74: {  	[tilespmem:s15], [sflag:$0x2] =	stream.indirect_vreg.gather [hbm4b:s7+s4], $0x80, v4, vm0, $0xb8;
	[tilespmem:$0x19400] =	vst v63  }
0x75: {  	v3 =	vadd.s32 v1, v3;
	s15 =	simm.s32 $0xE400  }
0x76: {  	[tilespmem:s15], [sflag:$0x2] =	stream.indirect_vreg.gather [hbm4b:s8+s4], $0x80, v4, vm0, $0xb8;
	[tilespmem:$0x19400] =	vst v63  }
0x77: {  	s15 =	simm.s32 $0xEC00  }
0x78: {  	[tilespmem:s15], [sflag:$0x2] =	stream.indirect_vreg.gather [hbm4b:s9+s4], $0x80, v4, vm0, $0xb8;
	[tilespmem:$0x19400] =	vst v63  }
0x79: {  	s15 =	simm.s32 $0xF400  }
0x7a: {  	[tilespmem:s15], [sflag:$0x2] =	stream.indirect_vreg.gather [hbm4b:s1+s4], $0x80, v3, vm0, $0xb8;
	[tilespmem:$0x19400] =	vst v63  }
0x7b: {  	s15 =	simm.s32 $0xFC00  }
0x7c: {  	[tilespmem:s15], [sflag:$0x2] =	stream.indirect_vreg.gather [hbm4b:s7+s4], $0x80, v3, vm0, $0xb8;
	[tilespmem:$0x19400] =	vst v63  }
0x7d: {  	s15 =	simm.s32 $0x10400  }
0x7e: {  	[tilespmem:s15], [sflag:$0x2] =	stream.indirect_vreg.gather [hbm4b:s8+s4], $0x80, v3, vm0, $0xb8;
	[tilespmem:$0x19400] =	vst v63  }
0x7f: {  	s15 =	simm.s32 $0x10C00  }
0x80: {  	[tilespmem:s15], [sflag:$0x2] =	stream.indirect_vreg.gather [hbm4b:s9+s4], $0x80, v3, vm0, $0xb8;
	[tilespmem:$0x19400] =	vst v63  }
0x81: {  	s15 =	simm.s32 $0x1  }
0x82: {  	_ =	swait.ge [sflag:s15], $0x8000  }
0x83: {  	[sflag:s15] =	ssyncset.done $0x0  }
0x84: {  	[sflag:s15] =	ssyncadd.s32 $0xFFFF8000  }
0x85: {  	v3 =	vld [tilespmem:s0+$0xFFFFFF70];
	_ =	sdelay $0x4  }
0x86: {  	v62 =	vshll.u32 v3, $0x3  }
0x87: {  	v3 =	vand.u32 $0x7, v3;
	v4 =	vand.u32 $0xFFFFFFC0, v62  }
0x88: {  	v3 =	vor.u32 v3, v4  }
0x89: {  	v4 =	vperm.xlane v3, v0;
	_ =	sdelay $0x1  }
0x8a: {  	v4 =	vadd.s32 v1, v4;
	_ =	sdelay $0x4  }
0x8b: {  	[hbm4b:s3+s4] =	stream.indirect_vreg.scatter [tilespmem:s5], [sflag:$0x4], $0x80, v4, vm0, $0xb8;
	[tilespmem:$0x19400] =	vst v63  }
0x8c: {  	v3 =	vperm.xlane v3, v2  }
0x8d: {  	[hbm4b:s10+s4] =	stream.indirect_vreg.scatter [tilespmem:s6], [sflag:$0x4], $0x80, v4, vm0, $0xb8;
	[tilespmem:$0x19400] =	vst v63  }
0x8e: {  	v3 =	vadd.s32 v1, v3  }
0x8f: {  	[hbm4b:s11+s4] =	stream.indirect_vreg.scatter [tilespmem:s13], [sflag:$0x4], $0x80, v4, vm0, $0xb8;
	[tilespmem:$0x19400] =	vst v63  }
0x90: {  	_ = 	snop  }
0x91: {  	[hbm4b:s12+s4] =	stream.indirect_vreg.scatter [tilespmem:s14], [sflag:$0x4], $0x80, v4, vm0, $0xb8;
	[tilespmem:$0x19400] =	vst v63  }
0x92: {  	_ = 	snop  }
0x93: {  	[hbm4b:s3+s4] =	stream.indirect_vreg.scatter [tilespmem:s16], [sflag:$0x4], $0x80, v3, vm0, $0xb8;
	[tilespmem:$0x19400] =	vst v63  }
0x94: {  	_ = 	snop  }
0x95: {  	[hbm4b:s10+s4] =	stream.indirect_vreg.scatter [tilespmem:s17], [sflag:$0x4], $0x80, v3, vm0, $0xb8;
	[tilespmem:$0x19400] =	vst v63  }
0x96: {  	_ = 	snop  }
0x97: {  	[hbm4b:s11+s4] =	stream.indirect_vreg.scatter [tilespmem:s18], [sflag:$0x4], $0x80, v3, vm0, $0xb8;
	[tilespmem:$0x19400] =	vst v63  }
0x98: {  	_ = 	snop  }
0x99: {  	[hbm4b:s12+s4] =	stream.indirect_vreg.scatter [tilespmem:s19], [sflag:$0x4], $0x80, v3, vm0, $0xb8;
	[tilespmem:$0x19400] =	vst v63  }
0x9a: {  	v3 =	vld [tilespmem:s0+$0xFFFFFF80];
	_ =	sdelay $0x4  }
0x9b: {  	v63 =	vshll.u32 v3, $0x3  }
0x9c: {  	v3 =	vand.u32 $0x7, v3;
	v4 =	vand.u32 $0xFFFFFFC0, v63  }
0x9d: {  	v3 =	vor.u32 v3, v4  }
0x9e: {  	v4 =	vperm.xlane v3, v0;
	_ =	sdelay $0x1  }
0x9f: {  	v4 =	vadd.s32 v1, v4;
	_ =	sdelay $0x4  }
0xa0: {  	[hbm4b:s3+s4] =	stream.indirect_vreg.scatter [tilespmem:s20], [sflag:$0x4], $0x80, v4, vm0, $0xb8;
	[tilespmem:$0x19400] =	vst v63  }
0xa1: {  	v3 =	vperm.xlane v3, v2  }
0xa2: {  	[hbm4b:s10+s4] =	stream.indirect_vreg.scatter [tilespmem:s21], [sflag:$0x4], $0x80, v4, vm0, $0xb8;
	[tilespmem:$0x19400] =	vst v63  }
0xa3: {  	v3 =	vadd.s32 v1, v3  }
0xa4: {  	[hbm4b:s11+s4] =	stream.indirect_vreg.scatter [tilespmem:s22], [sflag:$0x4], $0x80, v4, vm0, $0xb8;
	[tilespmem:$0x19400] =	vst v63  }
0xa5: {  	s15 =	simm.s32 $0x1400;
	s5 =	simm.s32 $0x1C00  }
0xa6: {  	[hbm4b:s12+s4] =	stream.indirect_vreg.scatter [tilespmem:s23], [sflag:$0x4], $0x80, v4, vm0, $0xb8;
	[tilespmem:$0x19400] =	vst v63  }
0xa7: {  	s6 =	simm.s32 $0x2400;
	s13 =	simm.s32 $0x2C00;
	s14 =	simm.s32 $0x3400  }
0xa8: {  	[hbm4b:s3+s4] =	stream.indirect_vreg.scatter [tilespmem:s24], [sflag:$0x4], $0x80, v3, vm0, $0xb8;
	[tilespmem:$0x19400] =	vst v63  }
0xa9: {  	s16 =	simm.s32 $0x3C00;
	s17 =	simm.s32 $0x4400;
	s18 =	simm.s32 $0x4C00  }
0xaa: {  	[hbm4b:s10+s4] =	stream.indirect_vreg.scatter [tilespmem:s25], [sflag:$0x4], $0x80, v3, vm0, $0xb8;
	[tilespmem:$0x19400] =	vst v63  }
.Ltmp2:
0xab: {  	s19 =	simm.s32 $0x5400;
	s20 =	simm.s32 $0x5C00;
	(pc) =	sbr.rel @p0 .LBB2_5-.Ltmp2, $4  }
0xac: {  	s21 =	simm.s32 $0x6400;
	s22 =	simm.s32 $0x6C00;
	s23 =	simm.s32 $0x7400  }
0xad: {  	[hbm4b:s11+s4] =	stream.indirect_vreg.scatter [tilespmem:s26], [sflag:$0x4], $0x80, v3, vm0, $0xb8;
	[tilespmem:$0x19400] =	vst v63  }
0xae: {  	s24 =	simm.s32 $0x7C00;
	s25 =	simm.s32 $0x8400;
	s26 =	simm.s32 $0x8C00  }
0xaf: {  	[hbm4b:s12+s4] =	stream.indirect_vreg.scatter [tilespmem:s30], [sflag:$0x4], $0x80, v3, vm0, $0xb8;
	[tilespmem:$0x19400] =	vst v63  }
0xb0: {  	p0 =	seq.s32 s2, $0xA  }
.Ltmp3:
0xb1: {  	_ = 	snop;
	(pc) =	sbr.rel @p0 .LBB2_6-.Ltmp3, $1  }
0xb2: {  	_ =	sdelay $0x3  }
0xb3: {  	s30 =	simm.s32 $0x6  }
0xb4: {  	_ =	swait.ge [sflag:s30], $0x8000  }
0xb5: {  	[sflag:s30] =	ssyncset.done $0x0  }
0xb6: {  	[sflag:s30] =	ssyncadd.s32 $0xFFFF8000  }
.LBB2_5:
0xb7: {  	v3 =	vld [tilespmem:s31+$0x0];
	_ =	sdelay $0x4  }
0xb8: {  	v4 =	vshll.u32 v3, $0x3  }
0xb9: {  	v3 =	vand.u32 $0x7, v3;
	v4 =	vand.u32 $0xFFFFFFC0, v4  }
0xba: {  	v3 =	vor.u32 v3, v4  }
0xbb: {  	v4 =	vperm.xlane v3, v0;
	_ =	sdelay $0x1  }
0xbc: {  	v4 =	vadd.s32 v1, v4;
	_ =	sdelay $0x3  }
0xbd: {  	s30 =	simm.s32 $0x11400  }
0xbe: {  	[tilespmem:s30], [sflag:$0x3] =	stream.indirect_vreg.gather [hbm4b:s1+s4], $0x80, v4, vm0, $0xb8;
	[tilespmem:$0x19400] =	vst v63  }
0xbf: {  	v3 =	vperm.xlane v3, v2;
	s30 =	simm.s32 $0x11C00  }
0xc0: {  	[tilespmem:s30], [sflag:$0x3] =	stream.indirect_vreg.gather [hbm4b:s7+s4], $0x80, v4, vm0, $0xb8;
	[tilespmem:$0x19400] =	vst v63  }
0xc1: {  	v3 =	vadd.s32 v1, v3;
	s30 =	simm.s32 $0x12400  }
0xc2: {  	[tilespmem:s30], [sflag:$0x3] =	stream.indirect_vreg.gather [hbm4b:s8+s4], $0x80, v4, vm0, $0xb8;
	[tilespmem:$0x19400] =	vst v63  }
0xc3: {  	s30 =	simm.s32 $0x12C00  }
0xc4: {  	[tilespmem:s30], [sflag:$0x3] =	stream.indirect_vreg.gather [hbm4b:s9+s4], $0x80, v4, vm0, $0xb8;
	[tilespmem:$0x19400] =	vst v63  }
0xc5: {  	s30 =	simm.s32 $0x13400  }
0xc6: {  	[tilespmem:s30], [sflag:$0x3] =	stream.indirect_vreg.gather [hbm4b:s1+s4], $0x80, v3, vm0, $0xb8;
	[tilespmem:$0x19400] =	vst v63  }
0xc7: {  	s30 =	simm.s32 $0x13C00  }
0xc8: {  	[tilespmem:s30], [sflag:$0x3] =	stream.indirect_vreg.gather [hbm4b:s7+s4], $0x80, v3, vm0, $0xb8;
	[tilespmem:$0x19400] =	vst v63  }
0xc9: {  	s30 =	simm.s32 $0x14400  }
0xca: {  	[tilespmem:s30], [sflag:$0x3] =	stream.indirect_vreg.gather [hbm4b:s8+s4], $0x80, v3, vm0, $0xb8;
	[tilespmem:$0x19400] =	vst v63  }
0xcb: {  	s30 =	simm.s32 $0x14C00  }
0xcc: {  	[tilespmem:s30], [sflag:$0x3] =	stream.indirect_vreg.gather [hbm4b:s9+s4], $0x80, v3, vm0, $0xb8;
	[tilespmem:$0x19400] =	vst v63  }
0xcd: {  	v3 =	vld [tilespmem:s31+$0x10];
	_ =	sdelay $0x4  }
0xce: {  	v63 =	vshll.u32 v3, $0x3  }
0xcf: {  	v3 =	vand.u32 $0x7, v3;
	v4 =	vand.u32 $0xFFFFFFC0, v63  }
0xd0: {  	v3 =	vor.u32 v3, v4  }
0xd1: {  	v4 =	vperm.xlane v3, v0;
	_ =	sdelay $0x1  }
0xd2: {  	v4 =	vadd.s32 v1, v4;
	_ =	sdelay $0x3  }
0xd3: {  	s30 =	simm.s32 $0x15400  }
0xd4: {  	[tilespmem:s30], [sflag:$0x3] =	stream.indirect_vreg.gather [hbm4b:s1+s4], $0x80, v4, vm0, $0xb8;
	[tilespmem:$0x19400] =	vst v63  }
0xd5: {  	v3 =	vperm.xlane v3, v2;
	s30 =	simm.s32 $0x15C00  }
0xd6: {  	[tilespmem:s30], [sflag:$0x3] =	stream.indirect_vreg.gather [hbm4b:s7+s4], $0x80, v4, vm0, $0xb8;
	[tilespmem:$0x19400] =	vst v63  }
0xd7: {  	v3 =	vadd.s32 v1, v3;
	s30 =	simm.s32 $0x16400  }
0xd8: {  	[tilespmem:s30], [sflag:$0x3] =	stream.indirect_vreg.gather [hbm4b:s8+s4], $0x80, v4, vm0, $0xb8;
	[tilespmem:$0x19400] =	vst v63  }
0xd9: {  	s30 =	simm.s32 $0x16C00  }
0xda: {  	[tilespmem:s30], [sflag:$0x3] =	stream.indirect_vreg.gather [hbm4b:s9+s4], $0x80, v4, vm0, $0xb8;
	[tilespmem:$0x19400] =	vst v63  }
0xdb: {  	s30 =	simm.s32 $0x17400  }
0xdc: {  	[tilespmem:s30], [sflag:$0x3] =	stream.indirect_vreg.gather [hbm4b:s1+s4], $0x80, v3, vm0, $0xb8;
	[tilespmem:$0x19400] =	vst v63  }
0xdd: {  	s30 =	simm.s32 $0x17C00  }
0xde: {  	[tilespmem:s30], [sflag:$0x3] =	stream.indirect_vreg.gather [hbm4b:s7+s4], $0x80, v3, vm0, $0xb8;
	[tilespmem:$0x19400] =	vst v63  }
0xdf: {  	s30 =	simm.s32 $0x18400  }
0xe0: {  	[tilespmem:s30], [sflag:$0x3] =	stream.indirect_vreg.gather [hbm4b:s8+s4], $0x80, v3, vm0, $0xb8;
	[tilespmem:$0x19400] =	vst v63  }
0xe1: {  	s30 =	simm.s32 $0x18C00  }
0xe2: {  	[tilespmem:s30], [sflag:$0x3] =	stream.indirect_vreg.gather [hbm4b:s9+s4], $0x80, v3, vm0, $0xb8;
	[tilespmem:$0x19400] =	vst v63  }
.LBB2_6:
0xe3: {  	_ =	swait.ge [sflag:s28], $0x8000  }
0xe4: {  	[sflag:s28] =	ssyncset.done $0x0  }
0xe5: {  	[sflag:s28] =	ssyncadd.s32 $0xFFFF8000  }
0xe6: {  	v3 =	vld [tilespmem:s0+$0xFFFFFFF0];
	_ =	sdelay $0x4  }
0xe7: {  	v4 =	vshll.u32 v3, $0x3  }
0xe8: {  	v3 =	vand.u32 $0x7, v3;
	v4 =	vand.u32 $0xFFFFFFC0, v4  }
0xe9: {  	v3 =	vor.u32 v3, v4  }
0xea: {  	v4 =	vperm.xlane v3, v0;
	_ =	sdelay $0x1  }
0xeb: {  	v4 =	vadd.s32 v1, v4;
	_ =	sdelay $0x3  }
0xec: {  	s30 =	simm.s32 $0x9400  }
0xed: {  	[hbm4b:s3+s4] =	stream.indirect_vreg.scatter [tilespmem:s30], [sflag:$0x5], $0x80, v4, vm0, $0xb8;
	[tilespmem:$0x19400] =	vst v63  }
0xee: {  	v3 =	vperm.xlane v3, v2;
	s30 =	simm.s32 $0x9C00  }
0xef: {  	[hbm4b:s10+s4] =	stream.indirect_vreg.scatter [tilespmem:s30], [sflag:$0x5], $0x80, v4, vm0, $0xb8;
	[tilespmem:$0x19400] =	vst v63  }
0xf0: {  	v3 =	vadd.s32 v1, v3;
	s30 =	simm.s32 $0xA400  }
0xf1: {  	[hbm4b:s11+s4] =	stream.indirect_vreg.scatter [tilespmem:s30], [sflag:$0x5], $0x80, v4, vm0, $0xb8;
	[tilespmem:$0x19400] =	vst v63  }
0xf2: {  	s30 =	simm.s32 $0xAC00  }
0xf3: {  	[hbm4b:s12+s4] =	stream.indirect_vreg.scatter [tilespmem:s30], [sflag:$0x5], $0x80, v4, vm0, $0xb8;
	[tilespmem:$0x19400] =	vst v63  }
0xf4: {  	s30 =	simm.s32 $0xB400  }
0xf5: {  	[hbm4b:s3+s4] =	stream.indirect_vreg.scatter [tilespmem:s30], [sflag:$0x5], $0x80, v3, vm0, $0xb8;
	[tilespmem:$0x19400] =	vst v63  }
0xf6: {  	s30 =	simm.s32 $0xBC00  }
0xf7: {  	[hbm4b:s10+s4] =	stream.indirect_vreg.scatter [tilespmem:s30], [sflag:$0x5], $0x80, v3, vm0, $0xb8;
	[tilespmem:$0x19400] =	vst v63  }
0xf8: {  	s30 =	simm.s32 $0xC400  }
0xf9: {  	[hbm4b:s11+s4] =	stream.indirect_vreg.scatter [tilespmem:s30], [sflag:$0x5], $0x80, v3, vm0, $0xb8;
	[tilespmem:$0x19400] =	vst v63  }
0xfa: {  	s30 =	simm.s32 $0xCC00  }
0xfb: {  	[hbm4b:s12+s4] =	stream.indirect_vreg.scatter [tilespmem:s30], [sflag:$0x5], $0x80, v3, vm0, $0xb8;
	[tilespmem:$0x19400] =	vst v63  }
0xfc: {  	v3 =	vld [tilespmem:s0+$0x0];
	_ =	sdelay $0x4  }
0xfd: {  	v63 =	vshll.u32 v3, $0x3  }
0xfe: {  	v3 =	vand.u32 $0x7, v3;
	v4 =	vand.u32 $0xFFFFFFC0, v63  }
0xff: {  	v3 =	vor.u32 v3, v4  }
0x100: {  	v4 =	vperm.xlane v3, v0;
	_ =	sdelay $0x1  }
0x101: {  	v4 =	vadd.s32 v1, v4;
	_ =	sdelay $0x3  }
0x102: {  	s30 =	simm.s32 $0xD400  }
0x103: {  	[hbm4b:s3+s4] =	stream.indirect_vreg.scatter [tilespmem:s30], [sflag:$0x5], $0x80, v4, vm0, $0xb8;
	[tilespmem:$0x19400] =	vst v63  }
0x104: {  	v3 =	vperm.xlane v3, v2;
	s30 =	simm.s32 $0xDC00  }
0x105: {  	[hbm4b:s10+s4] =	stream.indirect_vreg.scatter [tilespmem:s30], [sflag:$0x5], $0x80, v4, vm0, $0xb8;
	[tilespmem:$0x19400] =	vst v63  }
0x106: {  	v3 =	vadd.s32 v1, v3;
	s30 =	simm.s32 $0xE400  }
0x107: {  	[hbm4b:s11+s4] =	stream.indirect_vreg.scatter [tilespmem:s30], [sflag:$0x5], $0x80, v4, vm0, $0xb8;
	[tilespmem:$0x19400] =	vst v63  }
0x108: {  	s30 =	simm.s32 $0xEC00  }
0x109: {  	[hbm4b:s12+s4] =	stream.indirect_vreg.scatter [tilespmem:s30], [sflag:$0x5], $0x80, v4, vm0, $0xb8;
	[tilespmem:$0x19400] =	vst v63  }
0x10a: {  	s30 =	simm.s32 $0xF400  }
0x10b: {  	[hbm4b:s3+s4] =	stream.indirect_vreg.scatter [tilespmem:s30], [sflag:$0x5], $0x80, v3, vm0, $0xb8;
	[tilespmem:$0x19400] =	vst v63  }
0x10c: {  	s30 =	simm.s32 $0xFC00  }
0x10d: {  	[hbm4b:s10+s4] =	stream.indirect_vreg.scatter [tilespmem:s30], [sflag:$0x5], $0x80, v3, vm0, $0xb8;
	[tilespmem:$0x19400] =	vst v63  }
0x10e: {  	p0 =	seq.s32 s2, $0xA;
	s30 =	simm.s32 $0x10400  }
0x10f: {  	[hbm4b:s11+s4] =	stream.indirect_vreg.scatter [tilespmem:s30], [sflag:$0x5], $0x80, v3, vm0, $0xb8;
	[tilespmem:$0x19400] =	vst v63  }
.Ltmp4:
0x110: {  	s30 =	simm.s32 $0x10C00;
	(pc) =	sbr.rel @p0 .LBB2_8-.Ltmp4, $4  }
0x111: {  	[hbm4b:s12+s4] =	stream.indirect_vreg.scatter [tilespmem:s30], [sflag:$0x5], $0x80, v3, vm0, $0xb8;
	[tilespmem:$0x19400] =	vst v63  }
0x112: {  	_ =	swait.ge [sflag:s29], $0x8000  }
0x113: {  	[sflag:s29] =	ssyncset.done $0x0  }
0x114: {  	[sflag:s29] =	ssyncadd.s32 $0xFFFF8000  }
0x115: {  	v3 =	vld [tilespmem:s31+$0x20];
	_ =	sdelay $0x4  }
0x116: {  	v4 =	vshll.u32 v3, $0x3  }
0x117: {  	v3 =	vand.u32 $0x7, v3;
	v4 =	vand.u32 $0xFFFFFFC0, v4  }
0x118: {  	v3 =	vor.u32 v3, v4  }
0x119: {  	v4 =	vperm.xlane v3, v0;
	_ =	sdelay $0x1  }
0x11a: {  	v4 =	vadd.s32 v1, v4;
	_ =	sdelay $0x4  }
0x11b: {  	[tilespmem:s15], [sflag:$0x1] =	stream.indirect_vreg.gather [hbm4b:s1+s4], $0x80, v4, vm0, $0xb8;
	[tilespmem:$0x19400] =	vst v63  }
0x11c: {  	v3 =	vperm.xlane v3, v2  }
0x11d: {  	[tilespmem:s5], [sflag:$0x1] =	stream.indirect_vreg.gather [hbm4b:s7+s4], $0x80, v4, vm0, $0xb8;
	[tilespmem:$0x19400] =	vst v63  }
0x11e: {  	v3 =	vadd.s32 v1, v3  }
0x11f: {  	[tilespmem:s6], [sflag:$0x1] =	stream.indirect_vreg.gather [hbm4b:s8+s4], $0x80, v4, vm0, $0xb8;
	[tilespmem:$0x19400] =	vst v63  }
0x120: {  	_ = 	snop  }
0x121: {  	[tilespmem:s13], [sflag:$0x1] =	stream.indirect_vreg.gather [hbm4b:s9+s4], $0x80, v4, vm0, $0xb8;
	[tilespmem:$0x19400] =	vst v63  }
0x122: {  	_ = 	snop  }
0x123: {  	[tilespmem:s14], [sflag:$0x1] =	stream.indirect_vreg.gather [hbm4b:s1+s4], $0x80, v3, vm0, $0xb8;
	[tilespmem:$0x19400] =	vst v63  }
0x124: {  	_ = 	snop  }
0x125: {  	[tilespmem:s16], [sflag:$0x1] =	stream.indirect_vreg.gather [hbm4b:s7+s4], $0x80, v3, vm0, $0xb8;
	[tilespmem:$0x19400] =	vst v63  }
0x126: {  	_ = 	snop  }
0x127: {  	[tilespmem:s17], [sflag:$0x1] =	stream.indirect_vreg.gather [hbm4b:s8+s4], $0x80, v3, vm0, $0xb8;
	[tilespmem:$0x19400] =	vst v63  }
0x128: {  	_ = 	snop  }
0x129: {  	[tilespmem:s18], [sflag:$0x1] =	stream.indirect_vreg.gather [hbm4b:s9+s4], $0x80, v3, vm0, $0xb8;
	[tilespmem:$0x19400] =	vst v63  }
0x12a: {  	v3 =	vld [tilespmem:s31+$0x30];
	_ =	sdelay $0x4  }
0x12b: {  	v61 =	vshll.u32 v3, $0x3  }
0x12c: {  	v3 =	vand.u32 $0x7, v3;
	v4 =	vand.u32 $0xFFFFFFC0, v61  }
0x12d: {  	v3 =	vor.u32 v3, v4  }
0x12e: {  	v4 =	vperm.xlane v3, v0;
	_ =	sdelay $0x1  }
0x12f: {  	v4 =	vadd.s32 v1, v4;
	_ =	sdelay $0x4  }
0x130: {  	[tilespmem:s19], [sflag:$0x1] =	stream.indirect_vreg.gather [hbm4b:s1+s4], $0x80, v4, vm0, $0xb8;
	[tilespmem:$0x19400] =	vst v63  }
0x131: {  	v3 =	vperm.xlane v3, v2  }
0x132: {  	[tilespmem:s20], [sflag:$0x1] =	stream.indirect_vreg.gather [hbm4b:s7+s4], $0x80, v4, vm0, $0xb8;
	[tilespmem:$0x19400] =	vst v63  }
0x133: {  	v3 =	vadd.s32 v1, v3  }
0x134: {  	[tilespmem:s21], [sflag:$0x1] =	stream.indirect_vreg.gather [hbm4b:s8+s4], $0x80, v4, vm0, $0xb8;
	[tilespmem:$0x19400] =	vst v63  }
0x135: {  	_ = 	snop  }
0x136: {  	[tilespmem:s22], [sflag:$0x1] =	stream.indirect_vreg.gather [hbm4b:s9+s4], $0x80, v4, vm0, $0xb8;
	[tilespmem:$0x19400] =	vst v63  }
0x137: {  	_ = 	snop  }
0x138: {  	[tilespmem:s23], [sflag:$0x1] =	stream.indirect_vreg.gather [hbm4b:s1+s4], $0x80, v3, vm0, $0xb8;
	[tilespmem:$0x19400] =	vst v63  }
0x139: {  	_ = 	snop  }
0x13a: {  	[tilespmem:s24], [sflag:$0x1] =	stream.indirect_vreg.gather [hbm4b:s7+s4], $0x80, v3, vm0, $0xb8;
	[tilespmem:$0x19400] =	vst v63  }
0x13b: {  	_ = 	snop  }
0x13c: {  	[tilespmem:s25], [sflag:$0x1] =	stream.indirect_vreg.gather [hbm4b:s8+s4], $0x80, v3, vm0, $0xb8;
	[tilespmem:$0x19400] =	vst v63  }
0x13d: {  	s25 =	simm.s32 $0x3  }
0x13e: {  	[tilespmem:s26], [sflag:$0x1] =	stream.indirect_vreg.gather [hbm4b:s9+s4], $0x80, v3, vm0, $0xb8;
	[tilespmem:$0x19400] =	vst v63  }
0x13f: {  	_ =	swait.ge [sflag:s25], $0x8000  }
0x140: {  	[sflag:s25] =	ssyncset.done $0x0  }
0x141: {  	[sflag:s25] =	ssyncadd.s32 $0xFFFF8000  }
0x142: {  	v3 =	vld [tilespmem:s0+$0x70];
	_ =	sdelay $0x4  }
0x143: {  	v62 =	vshll.u32 v3, $0x3  }
0x144: {  	v3 =	vand.u32 $0x7, v3;
	v4 =	vand.u32 $0xFFFFFFC0, v62  }
0x145: {  	v3 =	vor.u32 v3, v4  }
0x146: {  	v4 =	vperm.xlane v3, v0;
	_ =	sdelay $0x1  }
0x147: {  	v4 =	vadd.s32 v1, v4;
	_ =	sdelay $0x3  }
0x148: {  	s26 =	simm.s32 $0x11400  }
0x149: {  	[hbm4b:s3+s4] =	stream.indirect_vreg.scatter [tilespmem:s26], [sflag:$0x6], $0x80, v4, vm0, $0xb8;
	[tilespmem:$0x19400] =	vst v63  }
0x14a: {  	s6 =	simm.s32 $0x11C00;
	v3 =	vperm.xlane v3, v2  }
0x14b: {  	[hbm4b:s10+s4] =	stream.indirect_vreg.scatter [tilespmem:s6], [sflag:$0x6], $0x80, v4, vm0, $0xb8;
	[tilespmem:$0x19400] =	vst v63  }
0x14c: {  	s13 =	simm.s32 $0x12400;
	v3 =	vadd.s32 v1, v3  }
0x14d: {  	[hbm4b:s11+s4] =	stream.indirect_vreg.scatter [tilespmem:s13], [sflag:$0x6], $0x80, v4, vm0, $0xb8;
	[tilespmem:$0x19400] =	vst v63  }
0x14e: {  	s14 =	simm.s32 $0x12C00  }
0x14f: {  	[hbm4b:s12+s4] =	stream.indirect_vreg.scatter [tilespmem:s14], [sflag:$0x6], $0x80, v4, vm0, $0xb8;
	[tilespmem:$0x19400] =	vst v63  }
0x150: {  	s15 =	simm.s32 $0x13400  }
0x151: {  	[hbm4b:s3+s4] =	stream.indirect_vreg.scatter [tilespmem:s15], [sflag:$0x6], $0x80, v3, vm0, $0xb8;
	[tilespmem:$0x19400] =	vst v63  }
0x152: {  	s16 =	simm.s32 $0x13C00  }
0x153: {  	[hbm4b:s10+s4] =	stream.indirect_vreg.scatter [tilespmem:s16], [sflag:$0x6], $0x80, v3, vm0, $0xb8;
	[tilespmem:$0x19400] =	vst v63  }
0x154: {  	s17 =	simm.s32 $0x14400  }
0x155: {  	[hbm4b:s11+s4] =	stream.indirect_vreg.scatter [tilespmem:s17], [sflag:$0x6], $0x80, v3, vm0, $0xb8;
	[tilespmem:$0x19400] =	vst v63  }
0x156: {  	s18 =	simm.s32 $0x14C00  }
0x157: {  	[hbm4b:s12+s4] =	stream.indirect_vreg.scatter [tilespmem:s18], [sflag:$0x6], $0x80, v3, vm0, $0xb8;
	[tilespmem:$0x19400] =	vst v63  }
0x158: {  	v3 =	vld [tilespmem:s0+$0x80];
	_ =	sdelay $0x4  }
0x159: {  	v63 =	vshll.u32 v3, $0x3  }
0x15a: {  	v3 =	vand.u32 $0x7, v3;
	v4 =	vand.u32 $0xFFFFFFC0, v63  }
0x15b: {  	v3 =	vor.u32 v3, v4  }
0x15c: {  	v4 =	vperm.xlane v3, v0;
	_ =	sdelay $0x1  }
0x15d: {  	v4 =	vadd.s32 v1, v4;
	_ =	sdelay $0x2  }
0x15e: {  	s2 =	sadd.s32 $0x1, s2  }
0x15f: {  	s30 =	simm.s32 $0x8C00;
	s5 =	simm.s32 $0x1400;
	s19 =	simm.s32 $0x15400  }
0x160: {  	[hbm4b:s3+s4] =	stream.indirect_vreg.scatter [tilespmem:s19], [sflag:$0x6], $0x80, v4, vm0, $0xb8;
	[tilespmem:$0x19400] =	vst v63  }
0x161: {  	s31 =	sadd.s32 $0x60, s31;
	s20 =	simm.s32 $0x15C00;
	s21 =	simm.s32 $0x16400;
	v3 =	vperm.xlane v3, v2  }
0x162: {  	[hbm4b:s10+s4] =	stream.indirect_vreg.scatter [tilespmem:s20], [sflag:$0x6], $0x80, v4, vm0, $0xb8;
	[tilespmem:$0x19400] =	vst v63  }
0x163: {  	s22 =	simm.s32 $0x16C00;
	s23 =	simm.s32 $0x17400;
	s24 =	simm.s32 $0x17C00;
	v3 =	vadd.s32 v1, v3  }
0x164: {  	[hbm4b:s11+s4] =	stream.indirect_vreg.scatter [tilespmem:s21], [sflag:$0x6], $0x80, v4, vm0, $0xb8;
	[tilespmem:$0x19400] =	vst v63  }
0x165: {  	s25 =	simm.s32 $0x18400;
	s26 =	simm.s32 $0x18C00;
	s6 =	simm.s32 $0x1C00  }
0x166: {  	[hbm4b:s12+s4] =	stream.indirect_vreg.scatter [tilespmem:s22], [sflag:$0x6], $0x80, v4, vm0, $0xb8;
	[tilespmem:$0x19400] =	vst v63  }
0x167: {  	s13 =	simm.s32 $0x2400;
	s14 =	simm.s32 $0x2C00;
	s16 =	simm.s32 $0x3400  }
0x168: {  	[hbm4b:s3+s4] =	stream.indirect_vreg.scatter [tilespmem:s23], [sflag:$0x6], $0x80, v3, vm0, $0xb8;
	[tilespmem:$0x19400] =	vst v63  }
0x169: {  	s17 =	simm.s32 $0x3C00;
	s18 =	simm.s32 $0x4400;
	s0 =	sadd.s32 $0x180, s0  }
0x16a: {  	[hbm4b:s10+s4] =	stream.indirect_vreg.scatter [tilespmem:s24], [sflag:$0x6], $0x80, v3, vm0, $0xb8;
	[tilespmem:$0x19400] =	vst v63  }
.Ltmp5:
0x16b: {  	s19 =	simm.s32 $0x4C00;
	s20 =	simm.s32 $0x5400;
	(pc) =	sbr.rel .LBB2_2-.Ltmp5, $4  }
0x16c: {  	[hbm4b:s11+s4] =	stream.indirect_vreg.scatter [tilespmem:s25], [sflag:$0x6], $0x80, v3, vm0, $0xb8;
	[tilespmem:$0x19400] =	vst v63  }
0x16d: {  	s21 =	simm.s32 $0x5C00;
	s22 =	simm.s32 $0x6400;
	s23 =	simm.s32 $0x6C00  }
0x16e: {  	[hbm4b:s12+s4] =	stream.indirect_vreg.scatter [tilespmem:s26], [sflag:$0x6], $0x80, v3, vm0, $0xb8;
	[tilespmem:$0x19400] =	vst v63  }
0x16f: {  	s24 =	simm.s32 $0x7400;
	s25 =	simm.s32 $0x7C00;
	s26 =	simm.s32 $0x8400  }
.LBB2_9:
0x170: {  	_ =	sfence.sel $0x180000  }
0x171: {  	[bflag:$0x0] =	sbarrier.arrive $0xFFFF  }
0x172: {  	_ =	strace $0x90000047  }
0x173: {  	s0 =	stileid.u32;
	[bflag:$0x2] =	sbarrier.arrive $0xFFFF  }
0x174: {  	p0 =	sne.s32 s0, $0x0;
	s0 =	rddreg [dreg:$0x3]  }
0x175: {  	s0 =	sadd.s32 @!p0 $0x100000, s0  }
0x176: {  	[sflag:s0] =	ssyncadd.tile.s32 @!p0 $0x1;
	_ =	shalt  }
.Lfunc_end2:
_tile_overlayer_lowered:
.L_overlay_start_2:
0x177: {  	(tag) =	ssettag $0x2  }
0x178: {  	s0 =	rddreg [dreg:$0x0];
	s2 =	stileid.u32  }
0x179: {  	s1 =	rddreg [dreg:$0x1];
	p0 =	sne.s32 s2, $0x0  }
0x17a: {  	s3 =	rddreg [dreg:$0x2];
	[bflag:$0x3] =	sbarrier.arrive $0xFFFF;
	s2 =	simm.s32 @!p0 $0x1C07  }
0x17b: {  	[timem:s3], [sflag:s2] =	dma.local @!p0 [hbm:s0], s1  }
0x17c: {  	s0 =	simm.s32 @!p0 $0x7  }
0x17d: {  	_ =	swait.ge @!p0 [sflag:s0], s1  }
0x17e: {  	s1 =	ssub.s32 @!p0 $0x0, s1;
	[sflag:s0] =	ssyncset.done @!p0 $0x0  }
0x17f: {  	[sflag:s0] =	ssyncadd.s32 @!p0 s1  }
0x180: {  	[bflag:$0x3] =	sbarrier.arrive $0xFFFF  }
0x181: {  	_ =	shalt  }

</sc_bundles>
